<compile_context>
chip_gen: v7x
topology: tpu7x:2x2x1
jax: 0.10.2.dev20260603
libtpu: 0.0.44.dev20260713+nightly
codegen_flags: <defaults>
</compile_context>

<pallas_src>
import functools

import jax
import jax.numpy as jnp
import numpy as np
from jax import lax
from jax.experimental import pallas as pl
from jax.experimental.pallas import tpu as pltpu
from jax.experimental.pallas import tpu_sc as plsc

_N_BINS = 10
_N_ROWS = 65536
_N_COLS = 1000
_BLK = 2048
_GRID = _N_ROWS // _BLK
_SUBL = _BLK // 128

_BOUNDS = np.linspace(0.0, 1.0, _N_BINS + 1)
_LO = [float(_BOUNDS[b]) for b in range(_N_BINS)]
_HI = [float(_BOUNDS[b + 1]) for b in range(_N_BINS)]

_N_WORKERS = 32
_CHUNK = _N_ROWS // _N_WORKERS
_NVEC = _CHUNK // 16
_ROWW = _N_BINS * 3 * 16


def _to_lane_major(v):
    k_row = lax.broadcasted_iota(jnp.int32, (_BLK, 128), 0)
    k_col = lax.broadcasted_iota(jnp.int32, (_BLK, 128), 1)
    m = jnp.where(k_row % 128 == k_col, 1.0, 0.0).astype(jnp.float32)
    a_row = lax.broadcasted_iota(jnp.int32, (_SUBL, _BLK), 0)
    a_col = lax.broadcasted_iota(jnp.int32, (_SUBL, _BLK), 1)
    a = jnp.where(a_col // 128 == a_row, 1.0, 0.0).astype(jnp.float32)
    return jax.lax.dot(a, v * m, precision=jax.lax.Precision.HIGHEST)


def _rowstats_body(logits_ref, out_ref):
    x = logits_ref[...]
    m = jnp.max(x, axis=1, keepdims=True)
    s = jnp.sum(jnp.exp(x), axis=1, keepdims=True)
    conf_lm = _to_lane_major(jnp.exp(m) / s)
    col = lax.broadcasted_iota(jnp.int32, x.shape, 1)
    pred = jnp.min(jnp.where(x == m, col, _N_COLS), axis=1, keepdims=True)
    pred_lm = _to_lane_major(pred.astype(jnp.float32))
    out_ref[0:_SUBL, :] = conf_lm
    out_ref[_SUBL:2 * _SUBL, :] = pred_lm


def _rowstats(logits):
    return pl.pallas_call(
        _rowstats_body,
        grid=(_GRID,),
        in_specs=[
            pl.BlockSpec((_BLK, _N_COLS), lambda i: (i, 0)),
        ],
        out_specs=pl.BlockSpec((2 * _SUBL, 128), lambda i: (i, 0)),
        out_shape=jax.ShapeDtypeStruct((_GRID * 2 * _SUBL, 128), jnp.float32),
    )(logits)


def _binsum_body(stats_hbm, labels_hbm, out_hbm, conf_v, pred_v, lab_v, out_v):
    wid = lax.axis_index("s") * 2 + lax.axis_index("c")
    blk = (wid * _CHUNK) // _BLK
    off = (wid * _CHUNK) % _BLK
    base_c = blk * (2 * _BLK) + off
    base_p = base_c + _BLK
    pltpu.sync_copy(stats_hbm.at[pl.ds(base_c, _CHUNK)], conf_v)
    pltpu.sync_copy(stats_hbm.at[pl.ds(base_p, _CHUNK)], pred_v)
    pltpu.sync_copy(labels_hbm.at[pl.ds(wid * _CHUNK, _CHUNK)], lab_v)

    zeros = jnp.zeros((16,), jnp.float32)
    init = (zeros,) * (3 * _N_BINS)

    def body(i, accs):
        c = conf_v[pl.ds(i * 16, 16)]
        p = pred_v[pl.ds(i * 16, 16)]
        l = lab_v[pl.ds(i * 16, 16)].astype(jnp.float32)
        r = jnp.where(p == l, 1.0, 0.0).astype(jnp.float32)
        nxt = []
        for b in range(_N_BINS):
            mk = jnp.logical_and(c > _LO[b], c <= _HI[b])
            mf = jnp.where(mk, 1.0, 0.0).astype(jnp.float32)
            nxt.append(accs[3 * b] + mf)
            nxt.append(accs[3 * b + 1] + mf * r)
            nxt.append(accs[3 * b + 2] + mf * c)
        return tuple(nxt)

    accs = lax.fori_loop(0, _NVEC, body, init)
    for b in range(_N_BINS):
        out_v[pl.ds(b * 48, 16)] = accs[3 * b]
        out_v[pl.ds(b * 48 + 16, 16)] = accs[3 * b + 1]
        out_v[pl.ds(b * 48 + 32, 16)] = accs[3 * b + 2]
    pltpu.sync_copy(out_v, out_hbm.at[wid])


def _binsum(stats_flat, labels):
    mesh = plsc.VectorSubcoreMesh(core_axis_name="c", subcore_axis_name="s")
    fn = functools.partial(
        pl.kernel,
        mesh=mesh,
        out_type=jax.ShapeDtypeStruct((_N_WORKERS, _ROWW), jnp.float32),
        scratch_types=[
            pltpu.VMEM((_CHUNK,), jnp.float32),
            pltpu.VMEM((_CHUNK,), jnp.float32),
            pltpu.VMEM((_CHUNK,), jnp.int32),
            pltpu.VMEM((_ROWW,), jnp.float32),
        ],
    )(_binsum_body)
    return fn(stats_flat, labels)


def _ece_body(part_ref, train_ref, out_ref):
    p = part_ref[...]
    tr = train_ref[0, 0]
    ece = jnp.float32(0.0)
    for b in range(_N_BINS):
        cnt = jnp.sum(p[:, b * 48:b * 48 + 16])
        cor = jnp.sum(p[:, b * 48 + 16:b * 48 + 32]) * tr
        cnf = jnp.sum(p[:, b * 48 + 32:b * 48 + 48])
        denom = jnp.maximum(cnt, 1.0)
        contrib = jnp.abs(cnf / denom - cor / denom) * (cnt / _N_ROWS)
        ece = ece + jnp.where(cnt > 0.0, contrib, 0.0)
    out_ref[...] = jnp.broadcast_to(ece, (1, 1))


def _ece(parts, train2d):
    return pl.pallas_call(
        _ece_body,
        in_specs=[
            pl.BlockSpec((_N_WORKERS, _ROWW), lambda: (0, 0)),
            pl.BlockSpec(memory_space=pltpu.SMEM),
        ],
        out_shape=jax.ShapeDtypeStruct((1, 1), jnp.float32),
    )(parts, train2d)


def kernel(logits, labels, train):
    labels_i = labels.astype(jnp.int32)
    train2d = jnp.asarray(train, jnp.float32).reshape(1, 1)
    stats = _rowstats(logits)
    parts = _binsum(stats.reshape(_GRID * 2 * _BLK), labels_i)
    return _ece(parts, train2d).reshape(1)

# --- scband reference (transcript-rebuilt; emitter-appended) ---
"""Pipeline reference for scband-eceloss-57543971832313 (READ-ONLY COPY).

The authoritative reference and input builder live on the scoring server;
editing this copy changes nothing except your own understanding.
"""

import jax, jax.numpy as jnp
import numpy as np

N_BINS = 10

def setup_inputs(seed: int = 0) -> dict:
    key = jax.random.key(seed)
    k1, k2 = jax.random.split(key)
    logits = jax.random.normal(k1, (65536, 1000), dtype=jnp.float32)
    labels = jax.random.randint(k2, (65536,), 0, 1000, dtype=jnp.int64)
    return {"logits": logits, "labels": labels, "train": True}

def reference(logits, labels, train):
    bounds = np.linspace(0.0, 1.0, N_BINS + 1)
    softmaxes = jax.nn.softmax(logits, axis=1)
    confidences = jnp.max(softmaxes, axis=1)
    predictions = jnp.argmax(softmaxes, axis=1)
    correctness = jnp.logical_and(predictions == labels, train).astype(jnp.float32)
    ece = jnp.zeros((1,), dtype=jnp.float32)
    for i in range(N_BINS):
        lo = float(bounds[i]); hi = float(bounds[i + 1])
        in_bin = jnp.logical_and(confidences > lo, confidences <= hi).astype(jnp.float32)
        prop_in_bin = jnp.mean(in_bin)
        cnt = jnp.sum(in_bin)
        denom = jnp.maximum(cnt, 1.0)
        accuracy_in_bin = jnp.sum(correctness * in_bin) / denom
        avg_confidence_in_bin = jnp.sum(confidences * in_bin) / denom
        contrib = jnp.abs(avg_confidence_in_bin - accuracy_in_bin) * prop_in_bin
        ece = ece + jnp.where(cnt > 0, contrib, 0.0)
    return ece

if __name__ == "__main__":
    import jax
    _d = setup_inputs()
    print(jax.jit(kernel)(*tuple(_d.values())))

</pallas_src>

<mosaic_0001>
#map = affine_map<(d0, d1) -> (0)>
#map1 = affine_map<(d0, d1) -> (0, 0)>
module attributes {stable_mosaic.version = 14 : i64} {
  func.func @_binsum_body(%arg0: i32, %arg1: i32, %arg2: memref<131072xf32, #tpu.memory_space<hbm>>, %arg3: memref<65536xi32, #tpu.memory_space<hbm>>, %arg4: memref<32x480xf32, #tpu.memory_space<hbm>>, %arg5: memref<2048xf32, #tpu.memory_space<vmem>>, %arg6: memref<2048xf32, #tpu.memory_space<vmem>>, %arg7: memref<2048xi32, #tpu.memory_space<vmem>>, %arg8: memref<480xf32, #tpu.memory_space<vmem>>) attributes {dimension_semantics = [#tpu.dimension_semantics<core_parallel>, #tpu.dimension_semantics<subcore_parallel>], iteration_bounds = array<i64: 2, 16>, scalar_prefetch = 0 : i64, scratch_operands = 4 : i64, tpu.core_type = #tpu.core_type<sc_vector_subcore>, window_params = [{transform_indices = #map}, {transform_indices = #map}, {transform_indices = #map1}]} {
    %mul3A = arith.constant 2 : i32
    %mul3A_0 = arith.muli %arg1, %mul3A : i32
    %add3A = arith.addi %mul3A_0, %arg0 : i32
    %mul3A_1 = arith.constant 2048 : i32
    %mul3A_2 = arith.muli %add3A, %mul3A_1 : i32
    %jit3A = arith.constant 2048 : i32
    %div3A = arith.divsi %mul3A_2, %jit3A : i32
    %sign3A = arith.constant 0 : i32
    %sign3A_3 = arith.cmpi sgt, %mul3A_2, %sign3A : i32
    %sign3A_4 = arith.extui %sign3A_3 : i1 to i32
    %sign3A_5 = arith.constant 0 : i32
    %sign3A_6 = arith.cmpi slt, %mul3A_2, %sign3A_5 : i32
    %sign3A_7 = arith.extui %sign3A_6 : i1 to i32
    %sign3A_8 = arith.subi %sign3A_4, %sign3A_7 : i32
    %sign3A_9 = arith.constant 0 : i32
    %sign3A_10 = arith.cmpi sgt, %jit3A, %sign3A_9 : i32
    %sign3A_11 = arith.extui %sign3A_10 : i1 to i32
    %sign3A_12 = arith.constant 0 : i32
    %sign3A_13 = arith.cmpi slt, %jit3A, %sign3A_12 : i32
    %sign3A_14 = arith.extui %sign3A_13 : i1 to i32
    %sign3A_15 = arith.subi %sign3A_11, %sign3A_14 : i32
    %ne3A = arith.cmpi ne, %sign3A_8, %sign3A_15 : i32
    %rem3A = arith.remsi %mul3A_2, %jit3A : i32
    %ne3A_16 = arith.constant 0 : i32
    %ne3A_17 = arith.cmpi ne, %rem3A, %ne3A_16 : i32
    %and3A = arith.andi %ne3A, %ne3A_17 : i1
    %sub3A = arith.constant 1 : i32
    %sub3A_18 = arith.subi %div3A, %sub3A : i32
    %select_n3A = arith.select %and3A, %sub3A_18, %div3A : i32
    %mul3A_19 = arith.constant 2048 : i32
    %mul3A_20 = arith.muli %add3A, %mul3A_19 : i32
    %jit3A_21 = arith.constant 2048 : i32
    %eq3A = arith.constant 0 : i32
    %eq3A_22 = arith.cmpi eq, %jit3A_21, %eq3A : i32
    %jit3A_23 = arith.constant 1 : i32
    %select_n3A_24 = arith.select %eq3A_22, %jit3A_23, %jit3A_21 : i32
    %rem3A_25 = arith.remsi %mul3A_20, %select_n3A_24 : i32
    %ne3A_26 = arith.constant 0 : i32
    %ne3A_27 = arith.cmpi ne, %rem3A_25, %ne3A_26 : i32
    %lt3A = arith.constant 0 : i32
    %lt3A_28 = arith.cmpi slt, %rem3A_25, %lt3A : i32
    %lt3A_29 = arith.constant 0 : i32
    %lt3A_30 = arith.cmpi slt, %select_n3A_24, %lt3A_29 : i32
    %ne3A_31 = arith.xori %lt3A_28, %lt3A_30 : i1
    %and3A_32 = arith.andi %ne3A_31, %ne3A_27 : i1
    %add3A_33 = arith.addi %rem3A_25, %select_n3A_24 : i32
    %select_n3A_34 = arith.select %and3A_32, %add3A_33, %rem3A_25 : i32
    %mul3A_35 = arith.constant 4096 : i32
    %mul3A_36 = arith.muli %select_n3A, %mul3A_35 : i32
    %add3A_37 = arith.addi %mul3A_36, %select_n3A_34 : i32
    %add3A_38 = arith.constant 2048 : i32
    %add3A_39 = arith.addi %add3A_37, %add3A_38 : i32
    "tpu.region"() ({
      %run_scoped3A = tpu.sem_alloc : memref<!tpu.dma_semaphore, #tpu.memory_space<semaphore_mem>>
      %dma_start3A = tpu.memref_slice %arg2[%add3A_37] : memref<131072xf32, #tpu.memory_space<hbm>> -> memref<2048xf32, #tpu.memory_space<hbm>>
      %dma_start3A_167 = tpu.memref_slice %arg2[%add3A_37] : memref<131072xf32, #tpu.memory_space<hbm>> -> memref<2048xf32, #tpu.memory_space<hbm>>
      tpu.enqueue_dma source(%dma_start3A_167 : memref<2048xf32, #tpu.memory_space<hbm>>) target(%arg5 : memref<2048xf32, #tpu.memory_space<vmem>>) target_semaphore(%run_scoped3A : memref<!tpu.dma_semaphore, #tpu.memory_space<semaphore_mem>>)
      %dma_wait3A = tpu.memref_slice %arg2[%add3A_37] : memref<131072xf32, #tpu.memory_space<hbm>> -> memref<2048xf32, #tpu.memory_space<hbm>>
      %dma_wait3A_168 = tpu.memref_slice %arg2[%add3A_37] : memref<131072xf32, #tpu.memory_space<hbm>> -> memref<2048xf32, #tpu.memory_space<hbm>>
      tpu.wait_dma2 semaphore(%run_scoped3A : memref<!tpu.dma_semaphore, #tpu.memory_space<semaphore_mem>>) src(%dma_wait3A_168 : memref<2048xf32, #tpu.memory_space<hbm>>) dst(%arg5 : memref<2048xf32, #tpu.memory_space<vmem>>)
      tpu.yield
    }) : () -> ()
    "tpu.region"() ({
      %run_scoped3A = tpu.sem_alloc : memref<!tpu.dma_semaphore, #tpu.memory_space<semaphore_mem>>
      %dma_start3A = tpu.memref_slice %arg2[%add3A_39] : memref<131072xf32, #tpu.memory_space<hbm>> -> memref<2048xf32, #tpu.memory_space<hbm>>
      %dma_start3A_167 = tpu.memref_slice %arg2[%add3A_39] : memref<131072xf32, #tpu.memory_space<hbm>> -> memref<2048xf32, #tpu.memory_space<hbm>>
      tpu.enqueue_dma source(%dma_start3A_167 : memref<2048xf32, #tpu.memory_space<hbm>>) target(%arg6 : memref<2048xf32, #tpu.memory_space<vmem>>) target_semaphore(%run_scoped3A : memref<!tpu.dma_semaphore, #tpu.memory_space<semaphore_mem>>)
      %dma_wait3A = tpu.memref_slice %arg2[%add3A_39] : memref<131072xf32, #tpu.memory_space<hbm>> -> memref<2048xf32, #tpu.memory_space<hbm>>
      %dma_wait3A_168 = tpu.memref_slice %arg2[%add3A_39] : memref<131072xf32, #tpu.memory_space<hbm>> -> memref<2048xf32, #tpu.memory_space<hbm>>
      tpu.wait_dma2 semaphore(%run_scoped3A : memref<!tpu.dma_semaphore, #tpu.memory_space<semaphore_mem>>) src(%dma_wait3A_168 : memref<2048xf32, #tpu.memory_space<hbm>>) dst(%arg6 : memref<2048xf32, #tpu.memory_space<vmem>>)
      tpu.yield
    }) : () -> ()
    %mul3A_40 = arith.constant 2048 : i32
    %mul3A_41 = arith.muli %add3A, %mul3A_40 : i32
    "tpu.region"() ({
      %run_scoped3A = tpu.sem_alloc : memref<!tpu.dma_semaphore, #tpu.memory_space<semaphore_mem>>
      %dma_start3A = tpu.memref_slice %arg3[%mul3A_41] : memref<65536xi32, #tpu.memory_space<hbm>> -> memref<2048xi32, #tpu.memory_space<hbm>>
      %dma_start3A_167 = tpu.memref_slice %arg3[%mul3A_41] : memref<65536xi32, #tpu.memory_space<hbm>> -> memref<2048xi32, #tpu.memory_space<hbm>>
      tpu.enqueue_dma source(%dma_start3A_167 : memref<2048xi32, #tpu.memory_space<hbm>>) target(%arg7 : memref<2048xi32, #tpu.memory_space<vmem>>) target_semaphore(%run_scoped3A : memref<!tpu.dma_semaphore, #tpu.memory_space<semaphore_mem>>)
      %dma_wait3A = tpu.memref_slice %arg3[%mul3A_41] : memref<65536xi32, #tpu.memory_space<hbm>> -> memref<2048xi32, #tpu.memory_space<hbm>>
      %dma_wait3A_168 = tpu.memref_slice %arg3[%mul3A_41] : memref<65536xi32, #tpu.memory_space<hbm>> -> memref<2048xi32, #tpu.memory_space<hbm>>
      tpu.wait_dma2 semaphore(%run_scoped3A : memref<!tpu.dma_semaphore, #tpu.memory_space<semaphore_mem>>) src(%dma_wait3A_168 : memref<2048xi32, #tpu.memory_space<hbm>>) dst(%arg7 : memref<2048xi32, #tpu.memory_space<vmem>>)
      tpu.yield
    }) : () -> ()
    %broadcast_in_dim3A = arith.constant 0.000000e+00 : f32
    %broadcast_in_dim3A_42 = vector.broadcast %broadcast_in_dim3A : f32 to vector<16xf32>
    %scan3A = arith.constant 0 : i32
    %scan3A_43 = arith.constant 128 : i32
    %scan3A_44 = arith.addi %scan3A, %scan3A_43 : i32
    %scan3A_45 = arith.constant 1 : i32
    %scan3A_46:30 = scf.for %scan3A_167 = %scan3A to %scan3A_44 step %scan3A_45 iter_args(%scan3A_168 = %broadcast_in_dim3A_42, %scan3A_169 = %broadcast_in_dim3A_42, %scan3A_170 = %broadcast_in_dim3A_42, %scan3A_171 = %broadcast_in_dim3A_42, %scan3A_172 = %broadcast_in_dim3A_42, %scan3A_173 = %broadcast_in_dim3A_42, %scan3A_174 = %broadcast_in_dim3A_42, %scan3A_175 = %broadcast_in_dim3A_42, %scan3A_176 = %broadcast_in_dim3A_42, %scan3A_177 = %broadcast_in_dim3A_42, %scan3A_178 = %broadcast_in_dim3A_42, %scan3A_179 = %broadcast_in_dim3A_42, %scan3A_180 = %broadcast_in_dim3A_42, %scan3A_181 = %broadcast_in_dim3A_42, %scan3A_182 = %broadcast_in_dim3A_42, %scan3A_183 = %broadcast_in_dim3A_42, %scan3A_184 = %broadcast_in_dim3A_42, %scan3A_185 = %broadcast_in_dim3A_42, %scan3A_186 = %broadcast_in_dim3A_42, %scan3A_187 = %broadcast_in_dim3A_42, %scan3A_188 = %broadcast_in_dim3A_42, %scan3A_189 = %broadcast_in_dim3A_42, %scan3A_190 = %broadcast_in_dim3A_42, %scan3A_191 = %broadcast_in_dim3A_42, %scan3A_192 = %broadcast_in_dim3A_42, %scan3A_193 = %broadcast_in_dim3A_42, %scan3A_194 = %broadcast_in_dim3A_42, %scan3A_195 = %broadcast_in_dim3A_42, %scan3A_196 = %broadcast_in_dim3A_42, %scan3A_197 = %broadcast_in_dim3A_42) -> (vector<16xf32>, vector<16xf32>, vector<16xf32>, vector<16xf32>, vector<16xf32>, vector<16xf32>, vector<16xf32>, vector<16xf32>, vector<16xf32>, vector<16xf32>, vector<16xf32>, vector<16xf32>, vector<16xf32>, vector<16xf32>, vector<16xf32>, vector<16xf32>, vector<16xf32>, vector<16xf32>, vector<16xf32>, vector<16xf32>, vector<16xf32>, vector<16xf32>, vector<16xf32>, vector<16xf32>, vector<16xf32>, vector<16xf32>, vector<16xf32>, vector<16xf32>, vector<16xf32>, vector<16xf32>)  : i32 {
      %mul3A_198 = arith.constant 16 : i32
      %mul3A_199 = arith.muli %scan3A_167, %mul3A_198 : i32
      %get3A = arith.index_cast %mul3A_199 : i32 to index
      %get3A_200 = tpu.vector_load %arg5[%get3A] {strides = array<i32>} : memref<2048xf32, #tpu.memory_space<vmem>>, vector<16xf32>,
      %get3A_201 = vector.shape_cast %get3A_200 : vector<16xf32> to vector<16xf32>
      %mul3A_202 = arith.constant 16 : i32
      %mul3A_203 = arith.muli %scan3A_167, %mul3A_202 : i32
      %get3A_204 = arith.index_cast %mul3A_203 : i32 to index
      %get3A_205 = tpu.vector_load %arg6[%get3A_204] {strides = array<i32>} : memref<2048xf32, #tpu.memory_space<vmem>>, vector<16xf32>,
      %get3A_206 = vector.shape_cast %get3A_205 : vector<16xf32> to vector<16xf32>
      %mul3A_207 = arith.constant 16 : i32
      %mul3A_208 = arith.muli %scan3A_167, %mul3A_207 : i32
      %get3A_209 = arith.index_cast %mul3A_208 : i32 to index
      %get3A_210 = tpu.vector_load %arg7[%get3A_209] {strides = array<i32>} : memref<2048xi32, #tpu.memory_space<vmem>>, vector<16xi32>,
      %get3A_211 = vector.shape_cast %get3A_210 : vector<16xi32> to vector<16xi32>
      %convert_element_type3A = arith.sitofp %get3A_211 : vector<16xi32> to vector<16xf32>
      %eq3A_212 = arith.cmpf oeq, %get3A_206, %convert_element_type3A : vector<16xf32>
      %jit3A_213 = arith.constant 1.000000e+00 : f32
      %jit3A_214 = arith.constant 0.000000e+00 : f32
      %broadcast_in_dim3A_215 = vector.broadcast %jit3A_213 : f32 to vector<16xf32>
      %broadcast_in_dim3A_216 = vector.broadcast %jit3A_214 : f32 to vector<16xf32>
      %select_n3A_217 = arith.select %eq3A_212, %broadcast_in_dim3A_215, %broadcast_in_dim3A_216 : vector<16xi1>, vector<16xf32>
      %gt3A = arith.constant 0.000000e+00 : f32
      %gt3A_218 = vector.broadcast %gt3A : f32 to vector<16xf32>
      %gt3A_219 = arith.cmpf ogt, %get3A_201, %gt3A_218 : vector<16xf32>
      %le3A = arith.constant 1.000000e-01 : f32
      %le3A_220 = vector.broadcast %le3A : f32 to vector<16xf32>
      %le3A_221 = arith.cmpf ole, %get3A_201, %le3A_220 : vector<16xf32>
      %and3A_222 = arith.andi %gt3A_219, %le3A_221 : vector<16xi1>
      %jit3A_223 = arith.constant 1.000000e+00 : f32
      %jit3A_224 = arith.constant 0.000000e+00 : f32
      %broadcast_in_dim3A_225 = vector.broadcast %jit3A_223 : f32 to vector<16xf32>
      %broadcast_in_dim3A_226 = vector.broadcast %jit3A_224 : f32 to vector<16xf32>
      %select_n3A_227 = arith.select %and3A_222, %broadcast_in_dim3A_225, %broadcast_in_dim3A_226 : vector<16xi1>, vector<16xf32>
      %add3A_228 = arith.addf %scan3A_168, %select_n3A_227 : vector<16xf32>
      %mul3A_229 = arith.mulf %select_n3A_227, %select_n3A_217 : vector<16xf32>
      %add3A_230 = arith.addf %scan3A_169, %mul3A_229 : vector<16xf32>
      %mul3A_231 = arith.mulf %select_n3A_227, %get3A_201 : vector<16xf32>
      %add3A_232 = arith.addf %scan3A_170, %mul3A_231 : vector<16xf32>
      %gt3A_233 = arith.constant 1.000000e-01 : f32
      %gt3A_234 = vector.broadcast %gt3A_233 : f32 to vector<16xf32>
      %gt3A_235 = arith.cmpf ogt, %get3A_201, %gt3A_234 : vector<16xf32>
      %le3A_236 = arith.constant 2.000000e-01 : f32
      %le3A_237 = vector.broadcast %le3A_236 : f32 to vector<16xf32>
      %le3A_238 = arith.cmpf ole, %get3A_201, %le3A_237 : vector<16xf32>
      %and3A_239 = arith.andi %gt3A_235, %le3A_238 : vector<16xi1>
      %jit3A_240 = arith.constant 1.000000e+00 : f32
      %jit3A_241 = arith.constant 0.000000e+00 : f32
      %broadcast_in_dim3A_242 = vector.broadcast %jit3A_240 : f32 to vector<16xf32>
      %broadcast_in_dim3A_243 = vector.broadcast %jit3A_241 : f32 to vector<16xf32>
      %select_n3A_244 = arith.select %and3A_239, %broadcast_in_dim3A_242, %broadcast_in_dim3A_243 : vector<16xi1>, vector<16xf32>
      %add3A_245 = arith.addf %scan3A_171, %select_n3A_244 : vector<16xf32>
      %mul3A_246 = arith.mulf %select_n3A_244, %select_n3A_217 : vector<16xf32>
      %add3A_247 = arith.addf %scan3A_172, %mul3A_246 : vector<16xf32>
      %mul3A_248 = arith.mulf %select_n3A_244, %get3A_201 : vector<16xf32>
      %add3A_249 = arith.addf %scan3A_173, %mul3A_248 : vector<16xf32>
      %gt3A_250 = arith.constant 2.000000e-01 : f32
      %gt3A_251 = vector.broadcast %gt3A_250 : f32 to vector<16xf32>
      %gt3A_252 = arith.cmpf ogt, %get3A_201, %gt3A_251 : vector<16xf32>
      %le3A_253 = arith.constant 3.000000e-01 : f32
      %le3A_254 = vector.broadcast %le3A_253 : f32 to vector<16xf32>
      %le3A_255 = arith.cmpf ole, %get3A_201, %le3A_254 : vector<16xf32>
      %and3A_256 = arith.andi %gt3A_252, %le3A_255 : vector<16xi1>
      %jit3A_257 = arith.constant 1.000000e+00 : f32
      %jit3A_258 = arith.constant 0.000000e+00 : f32
      %broadcast_in_dim3A_259 = vector.broadcast %jit3A_257 : f32 to vector<16xf32>
      %broadcast_in_dim3A_260 = vector.broadcast %jit3A_258 : f32 to vector<16xf32>
      %select_n3A_261 = arith.select %and3A_256, %broadcast_in_dim3A_259, %broadcast_in_dim3A_260 : vector<16xi1>, vector<16xf32>
      %add3A_262 = arith.addf %scan3A_174, %select_n3A_261 : vector<16xf32>
      %mul3A_263 = arith.mulf %select_n3A_261, %select_n3A_217 : vector<16xf32>
      %add3A_264 = arith.addf %scan3A_175, %mul3A_263 : vector<16xf32>
      %mul3A_265 = arith.mulf %select_n3A_261, %get3A_201 : vector<16xf32>
      %add3A_266 = arith.addf %scan3A_176, %mul3A_265 : vector<16xf32>
      %gt3A_267 = arith.constant 3.000000e-01 : f32
      %gt3A_268 = vector.broadcast %gt3A_267 : f32 to vector<16xf32>
      %gt3A_269 = arith.cmpf ogt, %get3A_201, %gt3A_268 : vector<16xf32>
      %le3A_270 = arith.constant 4.000000e-01 : f32
      %le3A_271 = vector.broadcast %le3A_270 : f32 to vector<16xf32>
      %le3A_272 = arith.cmpf ole, %get3A_201, %le3A_271 : vector<16xf32>
      %and3A_273 = arith.andi %gt3A_269, %le3A_272 : vector<16xi1>
      %jit3A_274 = arith.constant 1.000000e+00 : f32
      %jit3A_275 = arith.constant 0.000000e+00 : f32
      %broadcast_in_dim3A_276 = vector.broadcast %jit3A_274 : f32 to vector<16xf32>
      %broadcast_in_dim3A_277 = vector.broadcast %jit3A_275 : f32 to vector<16xf32>
      %select_n3A_278 = arith.select %and3A_273, %broadcast_in_dim3A_276, %broadcast_in_dim3A_277 : vector<16xi1>, vector<16xf32>
      %add3A_279 = arith.addf %scan3A_177, %select_n3A_278 : vector<16xf32>
      %mul3A_280 = arith.mulf %select_n3A_278, %select_n3A_217 : vector<16xf32>
      %add3A_281 = arith.addf %scan3A_178, %mul3A_280 : vector<16xf32>
      %mul3A_282 = arith.mulf %select_n3A_278, %get3A_201 : vector<16xf32>
      %add3A_283 = arith.addf %scan3A_179, %mul3A_282 : vector<16xf32>
      %gt3A_284 = arith.constant 4.000000e-01 : f32
      %gt3A_285 = vector.broadcast %gt3A_284 : f32 to vector<16xf32>
      %gt3A_286 = arith.cmpf ogt, %get3A_201, %gt3A_285 : vector<16xf32>
      %le3A_287 = arith.constant 5.000000e-01 : f32
      %le3A_288 = vector.broadcast %le3A_287 : f32 to vector<16xf32>
      %le3A_289 = arith.cmpf ole, %get3A_201, %le3A_288 : vector<16xf32>
      %and3A_290 = arith.andi %gt3A_286, %le3A_289 : vector<16xi1>
      %jit3A_291 = arith.constant 1.000000e+00 : f32
      %jit3A_292 = arith.constant 0.000000e+00 : f32
      %broadcast_in_dim3A_293 = vector.broadcast %jit3A_291 : f32 to vector<16xf32>
      %broadcast_in_dim3A_294 = vector.broadcast %jit3A_292 : f32 to vector<16xf32>
      %select_n3A_295 = arith.select %and3A_290, %broadcast_in_dim3A_293, %broadcast_in_dim3A_294 : vector<16xi1>, vector<16xf32>
      %add3A_296 = arith.addf %scan3A_180, %select_n3A_295 : vector<16xf32>
      %mul3A_297 = arith.mulf %select_n3A_295, %select_n3A_217 : vector<16xf32>
      %add3A_298 = arith.addf %scan3A_181, %mul3A_297 : vector<16xf32>
      %mul3A_299 = arith.mulf %select_n3A_295, %get3A_201 : vector<16xf32>
      %add3A_300 = arith.addf %scan3A_182, %mul3A_299 : vector<16xf32>
      %gt3A_301 = arith.constant 5.000000e-01 : f32
      %gt3A_302 = vector.broadcast %gt3A_301 : f32 to vector<16xf32>
      %gt3A_303 = arith.cmpf ogt, %get3A_201, %gt3A_302 : vector<16xf32>
      %le3A_304 = arith.constant 6.000000e-01 : f32
      %le3A_305 = vector.broadcast %le3A_304 : f32 to vector<16xf32>
      %le3A_306 = arith.cmpf ole, %get3A_201, %le3A_305 : vector<16xf32>
      %and3A_307 = arith.andi %gt3A_303, %le3A_306 : vector<16xi1>
      %jit3A_308 = arith.constant 1.000000e+00 : f32
      %jit3A_309 = arith.constant 0.000000e+00 : f32
      %broadcast_in_dim3A_310 = vector.broadcast %jit3A_308 : f32 to vector<16xf32>
      %broadcast_in_dim3A_311 = vector.broadcast %jit3A_309 : f32 to vector<16xf32>
      %select_n3A_312 = arith.select %and3A_307, %broadcast_in_dim3A_310, %broadcast_in_dim3A_311 : vector<16xi1>, vector<16xf32>
      %add3A_313 = arith.addf %scan3A_183, %select_n3A_312 : vector<16xf32>
      %mul3A_314 = arith.mulf %select_n3A_312, %select_n3A_217 : vector<16xf32>
      %add3A_315 = arith.addf %scan3A_184, %mul3A_314 : vector<16xf32>
      %mul3A_316 = arith.mulf %select_n3A_312, %get3A_201 : vector<16xf32>
      %add3A_317 = arith.addf %scan3A_185, %mul3A_316 : vector<16xf32>
      %gt3A_318 = arith.constant 6.000000e-01 : f32
      %gt3A_319 = vector.broadcast %gt3A_318 : f32 to vector<16xf32>
      %gt3A_320 = arith.cmpf ogt, %get3A_201, %gt3A_319 : vector<16xf32>
      %le3A_321 = arith.constant 0.699999988 : f32
      %le3A_322 = vector.broadcast %le3A_321 : f32 to vector<16xf32>
      %le3A_323 = arith.cmpf ole, %get3A_201, %le3A_322 : vector<16xf32>
      %and3A_324 = arith.andi %gt3A_320, %le3A_323 : vector<16xi1>
      %jit3A_325 = arith.constant 1.000000e+00 : f32
      %jit3A_326 = arith.constant 0.000000e+00 : f32
      %broadcast_in_dim3A_327 = vector.broadcast %jit3A_325 : f32 to vector<16xf32>
      %broadcast_in_dim3A_328 = vector.broadcast %jit3A_326 : f32 to vector<16xf32>
      %select_n3A_329 = arith.select %and3A_324, %broadcast_in_dim3A_327, %broadcast_in_dim3A_328 : vector<16xi1>, vector<16xf32>
      %add3A_330 = arith.addf %scan3A_186, %select_n3A_329 : vector<16xf32>
      %mul3A_331 = arith.mulf %select_n3A_329, %select_n3A_217 : vector<16xf32>
      %add3A_332 = arith.addf %scan3A_187, %mul3A_331 : vector<16xf32>
      %mul3A_333 = arith.mulf %select_n3A_329, %get3A_201 : vector<16xf32>
      %add3A_334 = arith.addf %scan3A_188, %mul3A_333 : vector<16xf32>
      %gt3A_335 = arith.constant 0.699999988 : f32
      %gt3A_336 = vector.broadcast %gt3A_335 : f32 to vector<16xf32>
      %gt3A_337 = arith.cmpf ogt, %get3A_201, %gt3A_336 : vector<16xf32>
      %le3A_338 = arith.constant 8.000000e-01 : f32
      %le3A_339 = vector.broadcast %le3A_338 : f32 to vector<16xf32>
      %le3A_340 = arith.cmpf ole, %get3A_201, %le3A_339 : vector<16xf32>
      %and3A_341 = arith.andi %gt3A_337, %le3A_340 : vector<16xi1>
      %jit3A_342 = arith.constant 1.000000e+00 : f32
      %jit3A_343 = arith.constant 0.000000e+00 : f32
      %broadcast_in_dim3A_344 = vector.broadcast %jit3A_342 : f32 to vector<16xf32>
      %broadcast_in_dim3A_345 = vector.broadcast %jit3A_343 : f32 to vector<16xf32>
      %select_n3A_346 = arith.select %and3A_341, %broadcast_in_dim3A_344, %broadcast_in_dim3A_345 : vector<16xi1>, vector<16xf32>
      %add3A_347 = arith.addf %scan3A_189, %select_n3A_346 : vector<16xf32>
      %mul3A_348 = arith.mulf %select_n3A_346, %select_n3A_217 : vector<16xf32>
      %add3A_349 = arith.addf %scan3A_190, %mul3A_348 : vector<16xf32>
      %mul3A_350 = arith.mulf %select_n3A_346, %get3A_201 : vector<16xf32>
      %add3A_351 = arith.addf %scan3A_191, %mul3A_350 : vector<16xf32>
      %gt3A_352 = arith.constant 8.000000e-01 : f32
      %gt3A_353 = vector.broadcast %gt3A_352 : f32 to vector<16xf32>
      %gt3A_354 = arith.cmpf ogt, %get3A_201, %gt3A_353 : vector<16xf32>
      %le3A_355 = arith.constant 0.899999976 : f32
      %le3A_356 = vector.broadcast %le3A_355 : f32 to vector<16xf32>
      %le3A_357 = arith.cmpf ole, %get3A_201, %le3A_356 : vector<16xf32>
      %and3A_358 = arith.andi %gt3A_354, %le3A_357 : vector<16xi1>
      %jit3A_359 = arith.constant 1.000000e+00 : f32
      %jit3A_360 = arith.constant 0.000000e+00 : f32
      %broadcast_in_dim3A_361 = vector.broadcast %jit3A_359 : f32 to vector<16xf32>
      %broadcast_in_dim3A_362 = vector.broadcast %jit3A_360 : f32 to vector<16xf32>
      %select_n3A_363 = arith.select %and3A_358, %broadcast_in_dim3A_361, %broadcast_in_dim3A_362 : vector<16xi1>, vector<16xf32>
      %add3A_364 = arith.addf %scan3A_192, %select_n3A_363 : vector<16xf32>
      %mul3A_365 = arith.mulf %select_n3A_363, %select_n3A_217 : vector<16xf32>
      %add3A_366 = arith.addf %scan3A_193, %mul3A_365 : vector<16xf32>
      %mul3A_367 = arith.mulf %select_n3A_363, %get3A_201 : vector<16xf32>
      %add3A_368 = arith.addf %scan3A_194, %mul3A_367 : vector<16xf32>
      %gt3A_369 = arith.constant 0.899999976 : f32
      %gt3A_370 = vector.broadcast %gt3A_369 : f32 to vector<16xf32>
      %gt3A_371 = arith.cmpf ogt, %get3A_201, %gt3A_370 : vector<16xf32>
      %le3A_372 = arith.constant 1.000000e+00 : f32
      %le3A_373 = vector.broadcast %le3A_372 : f32 to vector<16xf32>
      %le3A_374 = arith.cmpf ole, %get3A_201, %le3A_373 : vector<16xf32>
      %and3A_375 = arith.andi %gt3A_371, %le3A_374 : vector<16xi1>
      %jit3A_376 = arith.constant 1.000000e+00 : f32
      %jit3A_377 = arith.constant 0.000000e+00 : f32
      %broadcast_in_dim3A_378 = vector.broadcast %jit3A_376 : f32 to vector<16xf32>
      %broadcast_in_dim3A_379 = vector.broadcast %jit3A_377 : f32 to vector<16xf32>
      %select_n3A_380 = arith.select %and3A_375, %broadcast_in_dim3A_378, %broadcast_in_dim3A_379 : vector<16xi1>, vector<16xf32>
      %add3A_381 = arith.addf %scan3A_195, %select_n3A_380 : vector<16xf32>
      %mul3A_382 = arith.mulf %select_n3A_380, %select_n3A_217 : vector<16xf32>
      %add3A_383 = arith.addf %scan3A_196, %mul3A_382 : vector<16xf32>
      %mul3A_384 = arith.mulf %select_n3A_380, %get3A_201 : vector<16xf32>
      %add3A_385 = arith.addf %scan3A_197, %mul3A_384 : vector<16xf32>
      scf.yield %add3A_228, %add3A_230, %add3A_232, %add3A_245, %add3A_247, %add3A_249, %add3A_262, %add3A_264, %add3A_266, %add3A_279, %add3A_281, %add3A_283, %add3A_296, %add3A_298, %add3A_300, %add3A_313, %add3A_315, %add3A_317, %add3A_330, %add3A_332, %add3A_334, %add3A_347, %add3A_349, %add3A_351, %add3A_364, %add3A_366, %add3A_368, %add3A_381, %add3A_383, %add3A_385 : vector<16xf32>, vector<16xf32>, vector<16xf32>, vector<16xf32>, vector<16xf32>, vector<16xf32>, vector<16xf32>, vector<16xf32>, vector<16xf32>, vector<16xf32>, vector<16xf32>, vector<16xf32>, vector<16xf32>, vector<16xf32>, vector<16xf32>, vector<16xf32>, vector<16xf32>, vector<16xf32>, vector<16xf32>, vector<16xf32>, vector<16xf32>, vector<16xf32>, vector<16xf32>, vector<16xf32>, vector<16xf32>, vector<16xf32>, vector<16xf32>, vector<16xf32>, vector<16xf32>, vector<16xf32>
    }
    %scan3A_47 = arith.constant 128 : i32
    %swap3A = arith.constant 0 : index
    %swap3A_48 = tpu.vector_load %arg8[%swap3A] {strides = array<i32>} : memref<480xf32, #tpu.memory_space<vmem>>, vector<16xf32>,
    %swap3A_49 = vector.shape_cast %swap3A_48 : vector<16xf32> to vector<16xf32>
    %swap3A_50 = vector.shape_cast %scan3A_46#0 : vector<16xf32> to vector<16xf32>
    tpu.vector_store %arg8[%swap3A], %swap3A_50 {strides = array<i32>} : memref<480xf32, #tpu.memory_space<vmem>>, vector<16xf32>,
    %swap3A_51 = arith.constant 16 : index
    %swap3A_52 = tpu.vector_load %arg8[%swap3A_51] {strides = array<i32>} : memref<480xf32, #tpu.memory_space<vmem>>, vector<16xf32>,
    %swap3A_53 = vector.shape_cast %swap3A_52 : vector<16xf32> to vector<16xf32>
    %swap3A_54 = vector.shape_cast %scan3A_46#1 : vector<16xf32> to vector<16xf32>
    tpu.vector_store %arg8[%swap3A_51], %swap3A_54 {strides = array<i32>} : memref<480xf32, #tpu.memory_space<vmem>>, vector<16xf32>,
    %swap3A_55 = arith.constant 32 : index
    %swap3A_56 = tpu.vector_load %arg8[%swap3A_55] {strides = array<i32>} : memref<480xf32, #tpu.memory_space<vmem>>, vector<16xf32>,
    %swap3A_57 = vector.shape_cast %swap3A_56 : vector<16xf32> to vector<16xf32>
    %swap3A_58 = vector.shape_cast %scan3A_46#2 : vector<16xf32> to vector<16xf32>
    tpu.vector_store %arg8[%swap3A_55], %swap3A_58 {strides = array<i32>} : memref<480xf32, #tpu.memory_space<vmem>>, vector<16xf32>,
    %swap3A_59 = arith.constant 48 : index
    %swap3A_60 = tpu.vector_load %arg8[%swap3A_59] {strides = array<i32>} : memref<480xf32, #tpu.memory_space<vmem>>, vector<16xf32>,
    %swap3A_61 = vector.shape_cast %swap3A_60 : vector<16xf32> to vector<16xf32>
    %swap3A_62 = vector.shape_cast %scan3A_46#3 : vector<16xf32> to vector<16xf32>
    tpu.vector_store %arg8[%swap3A_59], %swap3A_62 {strides = array<i32>} : memref<480xf32, #tpu.memory_space<vmem>>, vector<16xf32>,
    %swap3A_63 = arith.constant 64 : index
    %swap3A_64 = tpu.vector_load %arg8[%swap3A_63] {strides = array<i32>} : memref<480xf32, #tpu.memory_space<vmem>>, vector<16xf32>,
    %swap3A_65 = vector.shape_cast %swap3A_64 : vector<16xf32> to vector<16xf32>
    %swap3A_66 = vector.shape_cast %scan3A_46#4 : vector<16xf32> to vector<16xf32>
    tpu.vector_store %arg8[%swap3A_63], %swap3A_66 {strides = array<i32>} : memref<480xf32, #tpu.memory_space<vmem>>, vector<16xf32>,
    %swap3A_67 = arith.constant 80 : index
    %swap3A_68 = tpu.vector_load %arg8[%swap3A_67] {strides = array<i32>} : memref<480xf32, #tpu.memory_space<vmem>>, vector<16xf32>,
    %swap3A_69 = vector.shape_cast %swap3A_68 : vector<16xf32> to vector<16xf32>
    %swap3A_70 = vector.shape_cast %scan3A_46#5 : vector<16xf32> to vector<16xf32>
    tpu.vector_store %arg8[%swap3A_67], %swap3A_70 {strides = array<i32>} : memref<480xf32, #tpu.memory_space<vmem>>, vector<16xf32>,
    %swap3A_71 = arith.constant 96 : index
    %swap3A_72 = tpu.vector_load %arg8[%swap3A_71] {strides = array<i32>} : memref<480xf32, #tpu.memory_space<vmem>>, vector<16xf32>,
    %swap3A_73 = vector.shape_cast %swap3A_72 : vector<16xf32> to vector<16xf32>
    %swap3A_74 = vector.shape_cast %scan3A_46#6 : vector<16xf32> to vector<16xf32>
    tpu.vector_store %arg8[%swap3A_71], %swap3A_74 {strides = array<i32>} : memref<480xf32, #tpu.memory_space<vmem>>, vector<16xf32>,
    %swap3A_75 = arith.constant 112 : index
    %swap3A_76 = tpu.vector_load %arg8[%swap3A_75] {strides = array<i32>} : memref<480xf32, #tpu.memory_space<vmem>>, vector<16xf32>,
    %swap3A_77 = vector.shape_cast %swap3A_76 : vector<16xf32> to vector<16xf32>
    %swap3A_78 = vector.shape_cast %scan3A_46#7 : vector<16xf32> to vector<16xf32>
    tpu.vector_store %arg8[%swap3A_75], %swap3A_78 {strides = array<i32>} : memref<480xf32, #tpu.memory_space<vmem>>, vector<16xf32>,
    %swap3A_79 = arith.constant 128 : index
    %swap3A_80 = tpu.vector_load %arg8[%swap3A_79] {strides = array<i32>} : memref<480xf32, #tpu.memory_space<vmem>>, vector<16xf32>,
    %swap3A_81 = vector.shape_cast %swap3A_80 : vector<16xf32> to vector<16xf32>
    %swap3A_82 = vector.shape_cast %scan3A_46#8 : vector<16xf32> to vector<16xf32>
    tpu.vector_store %arg8[%swap3A_79], %swap3A_82 {strides = array<i32>} : memref<480xf32, #tpu.memory_space<vmem>>, vector<16xf32>,
    %swap3A_83 = arith.constant 144 : index
    %swap3A_84 = tpu.vector_load %arg8[%swap3A_83] {strides = array<i32>} : memref<480xf32, #tpu.memory_space<vmem>>, vector<16xf32>,
    %swap3A_85 = vector.shape_cast %swap3A_84 : vector<16xf32> to vector<16xf32>
    %swap3A_86 = vector.shape_cast %scan3A_46#9 : vector<16xf32> to vector<16xf32>
    tpu.vector_store %arg8[%swap3A_83], %swap3A_86 {strides = array<i32>} : memref<480xf32, #tpu.memory_space<vmem>>, vector<16xf32>,
    %swap3A_87 = arith.constant 160 : index
    %swap3A_88 = tpu.vector_load %arg8[%swap3A_87] {strides = array<i32>} : memref<480xf32, #tpu.memory_space<vmem>>, vector<16xf32>,
    %swap3A_89 = vector.shape_cast %swap3A_88 : vector<16xf32> to vector<16xf32>
    %swap3A_90 = vector.shape_cast %scan3A_46#10 : vector<16xf32> to vector<16xf32>
    tpu.vector_store %arg8[%swap3A_87], %swap3A_90 {strides = array<i32>} : memref<480xf32, #tpu.memory_space<vmem>>, vector<16xf32>,
    %swap3A_91 = arith.constant 176 : index
    %swap3A_92 = tpu.vector_load %arg8[%swap3A_91] {strides = array<i32>} : memref<480xf32, #tpu.memory_space<vmem>>, vector<16xf32>,
    %swap3A_93 = vector.shape_cast %swap3A_92 : vector<16xf32> to vector<16xf32>
    %swap3A_94 = vector.shape_cast %scan3A_46#11 : vector<16xf32> to vector<16xf32>
    tpu.vector_store %arg8[%swap3A_91], %swap3A_94 {strides = array<i32>} : memref<480xf32, #tpu.memory_space<vmem>>, vector<16xf32>,
    %swap3A_95 = arith.constant 192 : index
    %swap3A_96 = tpu.vector_load %arg8[%swap3A_95] {strides = array<i32>} : memref<480xf32, #tpu.memory_space<vmem>>, vector<16xf32>,
    %swap3A_97 = vector.shape_cast %swap3A_96 : vector<16xf32> to vector<16xf32>
    %swap3A_98 = vector.shape_cast %scan3A_46#12 : vector<16xf32> to vector<16xf32>
    tpu.vector_store %arg8[%swap3A_95], %swap3A_98 {strides = array<i32>} : memref<480xf32, #tpu.memory_space<vmem>>, vector<16xf32>,
    %swap3A_99 = arith.constant 208 : index
    %swap3A_100 = tpu.vector_load %arg8[%swap3A_99] {strides = array<i32>} : memref<480xf32, #tpu.memory_space<vmem>>, vector<16xf32>,
    %swap3A_101 = vector.shape_cast %swap3A_100 : vector<16xf32> to vector<16xf32>
    %swap3A_102 = vector.shape_cast %scan3A_46#13 : vector<16xf32> to vector<16xf32>
    tpu.vector_store %arg8[%swap3A_99], %swap3A_102 {strides = array<i32>} : memref<480xf32, #tpu.memory_space<vmem>>, vector<16xf32>,
    %swap3A_103 = arith.constant 224 : index
    %swap3A_104 = tpu.vector_load %arg8[%swap3A_103] {strides = array<i32>} : memref<480xf32, #tpu.memory_space<vmem>>, vector<16xf32>,
    %swap3A_105 = vector.shape_cast %swap3A_104 : vector<16xf32> to vector<16xf32>
    %swap3A_106 = vector.shape_cast %scan3A_46#14 : vector<16xf32> to vector<16xf32>
    tpu.vector_store %arg8[%swap3A_103], %swap3A_106 {strides = array<i32>} : memref<480xf32, #tpu.memory_space<vmem>>, vector<16xf32>,
    %swap3A_107 = arith.constant 240 : index
    %swap3A_108 = tpu.vector_load %arg8[%swap3A_107] {strides = array<i32>} : memref<480xf32, #tpu.memory_space<vmem>>, vector<16xf32>,
    %swap3A_109 = vector.shape_cast %swap3A_108 : vector<16xf32> to vector<16xf32>
    %swap3A_110 = vector.shape_cast %scan3A_46#15 : vector<16xf32> to vector<16xf32>
    tpu.vector_store %arg8[%swap3A_107], %swap3A_110 {strides = array<i32>} : memref<480xf32, #tpu.memory_space<vmem>>, vector<16xf32>,
    %swap3A_111 = arith.constant 256 : index
    %swap3A_112 = tpu.vector_load %arg8[%swap3A_111] {strides = array<i32>} : memref<480xf32, #tpu.memory_space<vmem>>, vector<16xf32>,
    %swap3A_113 = vector.shape_cast %swap3A_112 : vector<16xf32> to vector<16xf32>
    %swap3A_114 = vector.shape_cast %scan3A_46#16 : vector<16xf32> to vector<16xf32>
    tpu.vector_store %arg8[%swap3A_111], %swap3A_114 {strides = array<i32>} : memref<480xf32, #tpu.memory_space<vmem>>, vector<16xf32>,
    %swap3A_115 = arith.constant 272 : index
    %swap3A_116 = tpu.vector_load %arg8[%swap3A_115] {strides = array<i32>} : memref<480xf32, #tpu.memory_space<vmem>>, vector<16xf32>,
    %swap3A_117 = vector.shape_cast %swap3A_116 : vector<16xf32> to vector<16xf32>
    %swap3A_118 = vector.shape_cast %scan3A_46#17 : vector<16xf32> to vector<16xf32>
    tpu.vector_store %arg8[%swap3A_115], %swap3A_118 {strides = array<i32>} : memref<480xf32, #tpu.memory_space<vmem>>, vector<16xf32>,
    %swap3A_119 = arith.constant 288 : index
    %swap3A_120 = tpu.vector_load %arg8[%swap3A_119] {strides = array<i32>} : memref<480xf32, #tpu.memory_space<vmem>>, vector<16xf32>,
    %swap3A_121 = vector.shape_cast %swap3A_120 : vector<16xf32> to vector<16xf32>
    %swap3A_122 = vector.shape_cast %scan3A_46#18 : vector<16xf32> to vector<16xf32>
    tpu.vector_store %arg8[%swap3A_119], %swap3A_122 {strides = array<i32>} : memref<480xf32, #tpu.memory_space<vmem>>, vector<16xf32>,
    %swap3A_123 = arith.constant 304 : index
    %swap3A_124 = tpu.vector_load %arg8[%swap3A_123] {strides = array<i32>} : memref<480xf32, #tpu.memory_space<vmem>>, vector<16xf32>,
    %swap3A_125 = vector.shape_cast %swap3A_124 : vector<16xf32> to vector<16xf32>
    %swap3A_126 = vector.shape_cast %scan3A_46#19 : vector<16xf32> to vector<16xf32>
    tpu.vector_store %arg8[%swap3A_123], %swap3A_126 {strides = array<i32>} : memref<480xf32, #tpu.memory_space<vmem>>, vector<16xf32>,
    %swap3A_127 = arith.constant 320 : index
    %swap3A_128 = tpu.vector_load %arg8[%swap3A_127] {strides = array<i32>} : memref<480xf32, #tpu.memory_space<vmem>>, vector<16xf32>,
    %swap3A_129 = vector.shape_cast %swap3A_128 : vector<16xf32> to vector<16xf32>
    %swap3A_130 = vector.shape_cast %scan3A_46#20 : vector<16xf32> to vector<16xf32>
    tpu.vector_store %arg8[%swap3A_127], %swap3A_130 {strides = array<i32>} : memref<480xf32, #tpu.memory_space<vmem>>, vector<16xf32>,
    %swap3A_131 = arith.constant 336 : index
    %swap3A_132 = tpu.vector_load %arg8[%swap3A_131] {strides = array<i32>} : memref<480xf32, #tpu.memory_space<vmem>>, vector<16xf32>,
    %swap3A_133 = vector.shape_cast %swap3A_132 : vector<16xf32> to vector<16xf32>
    %swap3A_134 = vector.shape_cast %scan3A_46#21 : vector<16xf32> to vector<16xf32>
    tpu.vector_store %arg8[%swap3A_131], %swap3A_134 {strides = array<i32>} : memref<480xf32, #tpu.memory_space<vmem>>, vector<16xf32>,
    %swap3A_135 = arith.constant 352 : index
    %swap3A_136 = tpu.vector_load %arg8[%swap3A_135] {strides = array<i32>} : memref<480xf32, #tpu.memory_space<vmem>>, vector<16xf32>,
    %swap3A_137 = vector.shape_cast %swap3A_136 : vector<16xf32> to vector<16xf32>
    %swap3A_138 = vector.shape_cast %scan3A_46#22 : vector<16xf32> to vector<16xf32>
    tpu.vector_store %arg8[%swap3A_135], %swap3A_138 {strides = array<i32>} : memref<480xf32, #tpu.memory_space<vmem>>, vector<16xf32>,
    %swap3A_139 = arith.constant 368 : index
    %swap3A_140 = tpu.vector_load %arg8[%swap3A_139] {strides = array<i32>} : memref<480xf32, #tpu.memory_space<vmem>>, vector<16xf32>,
    %swap3A_141 = vector.shape_cast %swap3A_140 : vector<16xf32> to vector<16xf32>
    %swap3A_142 = vector.shape_cast %scan3A_46#23 : vector<16xf32> to vector<16xf32>
    tpu.vector_store %arg8[%swap3A_139], %swap3A_142 {strides = array<i32>} : memref<480xf32, #tpu.memory_space<vmem>>, vector<16xf32>,
    %swap3A_143 = arith.constant 384 : index
    %swap3A_144 = tpu.vector_load %arg8[%swap3A_143] {strides = array<i32>} : memref<480xf32, #tpu.memory_space<vmem>>, vector<16xf32>,
    %swap3A_145 = vector.shape_cast %swap3A_144 : vector<16xf32> to vector<16xf32>
    %swap3A_146 = vector.shape_cast %scan3A_46#24 : vector<16xf32> to vector<16xf32>
    tpu.vector_store %arg8[%swap3A_143], %swap3A_146 {strides = array<i32>} : memref<480xf32, #tpu.memory_space<vmem>>, vector<16xf32>,
    %swap3A_147 = arith.constant 400 : index
    %swap3A_148 = tpu.vector_load %arg8[%swap3A_147] {strides = array<i32>} : memref<480xf32, #tpu.memory_space<vmem>>, vector<16xf32>,
    %swap3A_149 = vector.shape_cast %swap3A_148 : vector<16xf32> to vector<16xf32>
    %swap3A_150 = vector.shape_cast %scan3A_46#25 : vector<16xf32> to vector<16xf32>
    tpu.vector_store %arg8[%swap3A_147], %swap3A_150 {strides = array<i32>} : memref<480xf32, #tpu.memory_space<vmem>>, vector<16xf32>,
    %swap3A_151 = arith.constant 416 : index
    %swap3A_152 = tpu.vector_load %arg8[%swap3A_151] {strides = array<i32>} : memref<480xf32, #tpu.memory_space<vmem>>, vector<16xf32>,
    %swap3A_153 = vector.shape_cast %swap3A_152 : vector<16xf32> to vector<16xf32>
    %swap3A_154 = vector.shape_cast %scan3A_46#26 : vector<16xf32> to vector<16xf32>
    tpu.vector_store %arg8[%swap3A_151], %swap3A_154 {strides = array<i32>} : memref<480xf32, #tpu.memory_space<vmem>>, vector<16xf32>,
    %swap3A_155 = arith.constant 432 : index
    %swap3A_156 = tpu.vector_load %arg8[%swap3A_155] {strides = array<i32>} : memref<480xf32, #tpu.memory_space<vmem>>, vector<16xf32>,
    %swap3A_157 = vector.shape_cast %swap3A_156 : vector<16xf32> to vector<16xf32>
    %swap3A_158 = vector.shape_cast %scan3A_46#27 : vector<16xf32> to vector<16xf32>
    tpu.vector_store %arg8[%swap3A_155], %swap3A_158 {strides = array<i32>} : memref<480xf32, #tpu.memory_space<vmem>>, vector<16xf32>,
    %swap3A_159 = arith.constant 448 : index
    %swap3A_160 = tpu.vector_load %arg8[%swap3A_159] {strides = array<i32>} : memref<480xf32, #tpu.memory_space<vmem>>, vector<16xf32>,
    %swap3A_161 = vector.shape_cast %swap3A_160 : vector<16xf32> to vector<16xf32>
    %swap3A_162 = vector.shape_cast %scan3A_46#28 : vector<16xf32> to vector<16xf32>
    tpu.vector_store %arg8[%swap3A_159], %swap3A_162 {strides = array<i32>} : memref<480xf32, #tpu.memory_space<vmem>>, vector<16xf32>,
    %swap3A_163 = arith.constant 464 : index
    %swap3A_164 = tpu.vector_load %arg8[%swap3A_163] {strides = array<i32>} : memref<480xf32, #tpu.memory_space<vmem>>, vector<16xf32>,
    %swap3A_165 = vector.shape_cast %swap3A_164 : vector<16xf32> to vector<16xf32>
    %swap3A_166 = vector.shape_cast %scan3A_46#29 : vector<16xf32> to vector<16xf32>
    tpu.vector_store %arg8[%swap3A_163], %swap3A_166 {strides = array<i32>} : memref<480xf32, #tpu.memory_space<vmem>>, vector<16xf32>,
    "tpu.region"() ({
      %run_scoped3A = tpu.sem_alloc : memref<!tpu.dma_semaphore, #tpu.memory_space<semaphore_mem>>
      %dma_start3A = arith.constant 0 : i32
      %dma_start3A_167 = tpu.memref_slice %arg4[%add3A, %dma_start3A] : memref<32x480xf32, #tpu.memory_space<hbm>> -> memref<1x480xf32, #tpu.memory_space<hbm>>
      %dma_start3A_168 = tpu.memref_squeeze %dma_start3A_167 : memref<1x480xf32, #tpu.memory_space<hbm>> -> memref<480xf32, #tpu.memory_space<hbm>>
      %dma_start3A_169 = arith.constant 0 : i32
      %dma_start3A_170 = tpu.memref_slice %arg4[%add3A, %dma_start3A_169] : memref<32x480xf32, #tpu.memory_space<hbm>> -> memref<1x480xf32, #tpu.memory_space<hbm>>
      %dma_start3A_171 = tpu.memref_squeeze %dma_start3A_170 : memref<1x480xf32, #tpu.memory_space<hbm>> -> memref<480xf32, #tpu.memory_space<hbm>>
      tpu.enqueue_dma source(%arg8 : memref<480xf32, #tpu.memory_space<vmem>>) target(%dma_start3A_171 : memref<480xf32, #tpu.memory_space<hbm>>) target_semaphore(%run_scoped3A : memref<!tpu.dma_semaphore, #tpu.memory_space<semaphore_mem>>)
      %dma_wait3A = arith.constant 0 : i32
      %dma_wait3A_172 = tpu.memref_slice %arg4[%add3A, %dma_wait3A] : memref<32x480xf32, #tpu.memory_space<hbm>> -> memref<1x480xf32, #tpu.memory_space<hbm>>
      %dma_wait3A_173 = tpu.memref_squeeze %dma_wait3A_172 : memref<1x480xf32, #tpu.memory_space<hbm>> -> memref<480xf32, #tpu.memory_space<hbm>>
      %dma_wait3A_174 = arith.constant 0 : i32
      %dma_wait3A_175 = tpu.memref_slice %arg4[%add3A, %dma_wait3A_174] : memref<32x480xf32, #tpu.memory_space<hbm>> -> memref<1x480xf32, #tpu.memory_space<hbm>>
      %dma_wait3A_176 = tpu.memref_squeeze %dma_wait3A_175 : memref<1x480xf32, #tpu.memory_space<hbm>> -> memref<480xf32, #tpu.memory_space<hbm>>
      tpu.wait_dma2 semaphore(%run_scoped3A : memref<!tpu.dma_semaphore, #tpu.memory_space<semaphore_mem>>) src(%arg8 : memref<480xf32, #tpu.memory_space<vmem>>) dst(%dma_wait3A_176 : memref<480xf32, #tpu.memory_space<hbm>>)
      tpu.yield
    }) : () -> ()
    return
  }
}

module attributes {stable_mosaic.version = 14 : i64} {
  func.func @_rowstats_body(%arg0: i32, %arg1: memref<2048x1000xf32, #tpu.memory_space<vmem>>, %arg2: memref<32x128xf32, #tpu.memory_space<vmem>>) attributes {dimension_semantics = [#tpu.dimension_semantics<arbitrary>], iteration_bounds = array<i64: 32>, scalar_prefetch = 0 : i64, scratch_operands = 0 : i64, tpu.core_type = #tpu.core_type<tc>, window_params = [{transform_indices = @transform_0, window_bounds = array<i64: 2048, 1000>}, {transform_indices = @transform_1, window_bounds = array<i64: 32, 128>}]} {
    %get3A = arith.constant 0 : index
    %get3A_0 = arith.constant 0 : index
    %get3A_1 = vector.load %arg1[%get3A, %get3A_0] : memref<2048x1000xf32, #tpu.memory_space<vmem>>, vector<2048x1000xf32>
    %reduce_max3A = arith.constant dense<0xFF800000> : vector<2048xf32>
    %reduce_max3A_2 = vector.multi_reduction <maximumf>, %get3A_1, %reduce_max3A [1] : vector<2048x1000xf32> to vector<2048xf32>
    %broadcast_in_dim3A = vector.shape_cast %reduce_max3A_2 : vector<2048xf32> to vector<2048x1xf32>
    %exp3A = math.exp %get3A_1 : vector<2048x1000xf32>
    %reduce_sum3A = arith.constant dense<0.000000e+00> : vector<2048xf32>
    %reduce_sum3A_3 = vector.multi_reduction <add>, %exp3A, %reduce_sum3A [1] : vector<2048x1000xf32> to vector<2048xf32>
    %broadcast_in_dim3A_4 = vector.shape_cast %reduce_sum3A_3 : vector<2048xf32> to vector<2048x1xf32>
    %exp3A_5 = math.exp %broadcast_in_dim3A : vector<2048x1xf32>
    %div3A = arith.divf %exp3A_5, %broadcast_in_dim3A_4 : vector<2048x1xf32>
    %iota3A = tpu.iota {dimensions = array<i32: 0>} : vector<2048x128xi32>
    %iota3A_6 = tpu.iota {dimensions = array<i32: 1>} : vector<2048x128xi32>
    %jit3A = arith.constant 128 : i32
    %eq3A = arith.constant 0 : i32
    %eq3A_7 = arith.cmpi eq, %jit3A, %eq3A : i32
    %jit3A_8 = arith.constant 1 : i32
    %select_n3A = arith.select %eq3A_7, %jit3A_8, %jit3A : i32
    %rem3A = vector.broadcast %select_n3A : i32 to vector<2048x128xi32>
    %rem3A_9 = arith.remsi %iota3A, %rem3A : vector<2048x128xi32>
    %ne3A = arith.constant 0 : i32
    %ne3A_10 = vector.broadcast %ne3A : i32 to vector<2048x128xi32>
    %ne3A_11 = arith.cmpi ne, %rem3A_9, %ne3A_10 : vector<2048x128xi32>
    %lt3A = arith.constant 0 : i32
    %lt3A_12 = vector.broadcast %lt3A : i32 to vector<2048x128xi32>
    %lt3A_13 = arith.cmpi slt, %rem3A_9, %lt3A_12 : vector<2048x128xi32>
    %lt3A_14 = arith.constant 0 : i32
    %lt3A_15 = arith.cmpi slt, %select_n3A, %lt3A_14 : i32
    %ne3A_16 = vector.broadcast %lt3A_15 : i1 to vector<2048x128xi1>
    %ne3A_17 = vector.broadcast %ne3A_16 : vector<2048x128xi1> to vector<2048x128xi1>
    %ne3A_18 = arith.xori %lt3A_13, %ne3A_17 : vector<2048x128xi1>
    %and3A = arith.andi %ne3A_18, %ne3A_11 : vector<2048x128xi1>
    %add3A = vector.broadcast %select_n3A : i32 to vector<2048x128xi32>
    %add3A_19 = arith.addi %rem3A_9, %add3A : vector<2048x128xi32>
    %select_n3A_20 = arith.select %and3A, %add3A_19, %rem3A_9 : vector<2048x128xi1>, vector<2048x128xi32>
    %eq3A_21 = arith.cmpi eq, %select_n3A_20, %iota3A_6 : vector<2048x128xi32>
    %jit3A_22 = arith.constant 1.000000e+00 : f32
    %jit3A_23 = arith.constant 0.000000e+00 : f32
    %broadcast_in_dim3A_24 = vector.broadcast %jit3A_22 : f32 to vector<2048x128xf32>
    %broadcast_in_dim3A_25 = vector.broadcast %jit3A_23 : f32 to vector<2048x128xf32>
    %select_n3A_26 = arith.select %eq3A_21, %broadcast_in_dim3A_24, %broadcast_in_dim3A_25 : vector<2048x128xi1>, vector<2048x128xf32>
    %iota3A_27 = tpu.iota {dimensions = array<i32: 0>} : vector<16x2048xi32>
    %iota3A_28 = tpu.iota {dimensions = array<i32: 1>} : vector<16x2048xi32>
    %jit3A_29 = arith.constant 128 : i32
    %div3A_30 = vector.broadcast %jit3A_29 : i32 to vector<16x2048xi32>
    %div3A_31 = arith.divsi %iota3A_28, %div3A_30 : vector<16x2048xi32>
    %sign3A = arith.constant 0 : i32
    %sign3A_32 = vector.broadcast %sign3A : i32 to vector<16x2048xi32>
    %sign3A_33 = arith.cmpi sgt, %iota3A_28, %sign3A_32 : vector<16x2048xi32>
    %sign3A_34 = arith.extui %sign3A_33 : vector<16x2048xi1> to vector<16x2048xi32>
    %sign3A_35 = arith.constant 0 : i32
    %sign3A_36 = vector.broadcast %sign3A_35 : i32 to vector<16x2048xi32>
    %sign3A_37 = arith.cmpi slt, %iota3A_28, %sign3A_36 : vector<16x2048xi32>
    %sign3A_38 = arith.extui %sign3A_37 : vector<16x2048xi1> to vector<16x2048xi32>
    %sign3A_39 = arith.subi %sign3A_34, %sign3A_38 : vector<16x2048xi32>
    %sign3A_40 = arith.constant 0 : i32
    %sign3A_41 = arith.cmpi sgt, %jit3A_29, %sign3A_40 : i32
    %sign3A_42 = arith.extui %sign3A_41 : i1 to i32
    %sign3A_43 = arith.constant 0 : i32
    %sign3A_44 = arith.cmpi slt, %jit3A_29, %sign3A_43 : i32
    %sign3A_45 = arith.extui %sign3A_44 : i1 to i32
    %sign3A_46 = arith.subi %sign3A_42, %sign3A_45 : i32
    %ne3A_47 = vector.broadcast %sign3A_46 : i32 to vector<16x2048xi32>
    %ne3A_48 = arith.cmpi ne, %sign3A_39, %ne3A_47 : vector<16x2048xi32>
    %rem3A_49 = vector.broadcast %jit3A_29 : i32 to vector<16x2048xi32>
    %rem3A_50 = arith.remsi %iota3A_28, %rem3A_49 : vector<16x2048xi32>
    %ne3A_51 = arith.constant 0 : i32
    %ne3A_52 = vector.broadcast %ne3A_51 : i32 to vector<16x2048xi32>
    %ne3A_53 = arith.cmpi ne, %rem3A_50, %ne3A_52 : vector<16x2048xi32>
    %and3A_54 = arith.andi %ne3A_48, %ne3A_53 : vector<16x2048xi1>
    %sub3A = arith.constant 1 : i32
    %sub3A_55 = vector.broadcast %sub3A : i32 to vector<16x2048xi32>
    %sub3A_56 = arith.subi %div3A_31, %sub3A_55 : vector<16x2048xi32>
    %select_n3A_57 = arith.select %and3A_54, %sub3A_56, %div3A_31 : vector<16x2048xi1>, vector<16x2048xi32>
    %eq3A_58 = arith.cmpi eq, %select_n3A_57, %iota3A_27 : vector<16x2048xi32>
    %jit3A_59 = arith.constant 1.000000e+00 : f32
    %jit3A_60 = arith.constant 0.000000e+00 : f32
    %broadcast_in_dim3A_61 = vector.broadcast %jit3A_59 : f32 to vector<16x2048xf32>
    %broadcast_in_dim3A_62 = vector.broadcast %jit3A_60 : f32 to vector<16x2048xf32>
    %select_n3A_63 = arith.select %eq3A_58, %broadcast_in_dim3A_61, %broadcast_in_dim3A_62 : vector<16x2048xi1>, vector<16x2048xf32>
    %mul3A = vector.broadcast %div3A : vector<2048x1xf32> to vector<2048x128xf32>
    %mul3A_64 = arith.mulf %mul3A, %select_n3A_26 : vector<2048x128xf32>
    %dot_general3A = arith.constant dense<0.000000e+00> : vector<16x128xf32>
    %dot_general3A_65 = tpu.matmul %select_n3A_63, %mul3A_64, %dot_general3A {dimension_numbers = #tpu.dot_dimension_numbers<[1], [0], [0], [1], [0, 0, 1, 1], [], []>, precision = #tpu.contract_precision<fp32>, transpose_lhs_hint = false} : vector<16x2048xf32>, vector<2048x128xf32>, vector<16x128xf32> -> vector<16x128xf32>
    %iota3A_66 = tpu.iota {dimensions = array<i32: 1>} : vector<2048x1000xi32>
    %eq3A_67 = vector.broadcast %broadcast_in_dim3A : vector<2048x1xf32> to vector<2048x1000xf32>
    %eq3A_68 = arith.cmpf oeq, %get3A_1, %eq3A_67 : vector<2048x1000xf32>
    %jit3A_69 = arith.constant 1000 : i32
    %broadcast_in_dim3A_70 = vector.broadcast %jit3A_69 : i32 to vector<2048x1000xi32>
    %select_n3A_71 = arith.select %eq3A_68, %iota3A_66, %broadcast_in_dim3A_70 : vector<2048x1000xi1>, vector<2048x1000xi32>
    %reduce_min3A = arith.constant dense<2147483647> : vector<2048xi32>
    %reduce_min3A_72 = vector.multi_reduction <minsi>, %select_n3A_71, %reduce_min3A [1] : vector<2048x1000xi32> to vector<2048xi32>
    %broadcast_in_dim3A_73 = vector.shape_cast %reduce_min3A_72 : vector<2048xi32> to vector<2048x1xi32>
    %convert_element_type3A = arith.sitofp %broadcast_in_dim3A_73 : vector<2048x1xi32> to vector<2048x1xf32>
    %iota3A_74 = tpu.iota {dimensions = array<i32: 0>} : vector<2048x128xi32>
    %iota3A_75 = tpu.iota {dimensions = array<i32: 1>} : vector<2048x128xi32>
    %jit3A_76 = arith.constant 128 : i32
    %eq3A_77 = arith.constant 0 : i32
    %eq3A_78 = arith.cmpi eq, %jit3A_76, %eq3A_77 : i32
    %jit3A_79 = arith.constant 1 : i32
    %select_n3A_80 = arith.select %eq3A_78, %jit3A_79, %jit3A_76 : i32
    %rem3A_81 = vector.broadcast %select_n3A_80 : i32 to vector<2048x128xi32>
    %rem3A_82 = arith.remsi %iota3A_74, %rem3A_81 : vector<2048x128xi32>
    %ne3A_83 = arith.constant 0 : i32
    %ne3A_84 = vector.broadcast %ne3A_83 : i32 to vector<2048x128xi32>
    %ne3A_85 = arith.cmpi ne, %rem3A_82, %ne3A_84 : vector<2048x128xi32>
    %lt3A_86 = arith.constant 0 : i32
    %lt3A_87 = vector.broadcast %lt3A_86 : i32 to vector<2048x128xi32>
    %lt3A_88 = arith.cmpi slt, %rem3A_82, %lt3A_87 : vector<2048x128xi32>
    %lt3A_89 = arith.constant 0 : i32
    %lt3A_90 = arith.cmpi slt, %select_n3A_80, %lt3A_89 : i32
    %ne3A_91 = vector.broadcast %lt3A_90 : i1 to vector<2048x128xi1>
    %ne3A_92 = vector.broadcast %ne3A_91 : vector<2048x128xi1> to vector<2048x128xi1>
    %ne3A_93 = arith.xori %lt3A_88, %ne3A_92 : vector<2048x128xi1>
    %and3A_94 = arith.andi %ne3A_93, %ne3A_85 : vector<2048x128xi1>
    %add3A_95 = vector.broadcast %select_n3A_80 : i32 to vector<2048x128xi32>
    %add3A_96 = arith.addi %rem3A_82, %add3A_95 : vector<2048x128xi32>
    %select_n3A_97 = arith.select %and3A_94, %add3A_96, %rem3A_82 : vector<2048x128xi1>, vector<2048x128xi32>
    %eq3A_98 = arith.cmpi eq, %select_n3A_97, %iota3A_75 : vector<2048x128xi32>
    %jit3A_99 = arith.constant 1.000000e+00 : f32
    %jit3A_100 = arith.constant 0.000000e+00 : f32
    %broadcast_in_dim3A_101 = vector.broadcast %jit3A_99 : f32 to vector<2048x128xf32>
    %broadcast_in_dim3A_102 = vector.broadcast %jit3A_100 : f32 to vector<2048x128xf32>
    %select_n3A_103 = arith.select %eq3A_98, %broadcast_in_dim3A_101, %broadcast_in_dim3A_102 : vector<2048x128xi1>, vector<2048x128xf32>
    %iota3A_104 = tpu.iota {dimensions = array<i32: 0>} : vector<16x2048xi32>
    %iota3A_105 = tpu.iota {dimensions = array<i32: 1>} : vector<16x2048xi32>
    %jit3A_106 = arith.constant 128 : i32
    %div3A_107 = vector.broadcast %jit3A_106 : i32 to vector<16x2048xi32>
    %div3A_108 = arith.divsi %iota3A_105, %div3A_107 : vector<16x2048xi32>
    %sign3A_109 = arith.constant 0 : i32
    %sign3A_110 = vector.broadcast %sign3A_109 : i32 to vector<16x2048xi32>
    %sign3A_111 = arith.cmpi sgt, %iota3A_105, %sign3A_110 : vector<16x2048xi32>
    %sign3A_112 = arith.extui %sign3A_111 : vector<16x2048xi1> to vector<16x2048xi32>
    %sign3A_113 = arith.constant 0 : i32
    %sign3A_114 = vector.broadcast %sign3A_113 : i32 to vector<16x2048xi32>
    %sign3A_115 = arith.cmpi slt, %iota3A_105, %sign3A_114 : vector<16x2048xi32>
    %sign3A_116 = arith.extui %sign3A_115 : vector<16x2048xi1> to vector<16x2048xi32>
    %sign3A_117 = arith.subi %sign3A_112, %sign3A_116 : vector<16x2048xi32>
    %sign3A_118 = arith.constant 0 : i32
    %sign3A_119 = arith.cmpi sgt, %jit3A_106, %sign3A_118 : i32
    %sign3A_120 = arith.extui %sign3A_119 : i1 to i32
    %sign3A_121 = arith.constant 0 : i32
    %sign3A_122 = arith.cmpi slt, %jit3A_106, %sign3A_121 : i32
    %sign3A_123 = arith.extui %sign3A_122 : i1 to i32
    %sign3A_124 = arith.subi %sign3A_120, %sign3A_123 : i32
    %ne3A_125 = vector.broadcast %sign3A_124 : i32 to vector<16x2048xi32>
    %ne3A_126 = arith.cmpi ne, %sign3A_117, %ne3A_125 : vector<16x2048xi32>
    %rem3A_127 = vector.broadcast %jit3A_106 : i32 to vector<16x2048xi32>
    %rem3A_128 = arith.remsi %iota3A_105, %rem3A_127 : vector<16x2048xi32>
    %ne3A_129 = arith.constant 0 : i32
    %ne3A_130 = vector.broadcast %ne3A_129 : i32 to vector<16x2048xi32>
    %ne3A_131 = arith.cmpi ne, %rem3A_128, %ne3A_130 : vector<16x2048xi32>
    %and3A_132 = arith.andi %ne3A_126, %ne3A_131 : vector<16x2048xi1>
    %sub3A_133 = arith.constant 1 : i32
    %sub3A_134 = vector.broadcast %sub3A_133 : i32 to vector<16x2048xi32>
    %sub3A_135 = arith.subi %div3A_108, %sub3A_134 : vector<16x2048xi32>
    %select_n3A_136 = arith.select %and3A_132, %sub3A_135, %div3A_108 : vector<16x2048xi1>, vector<16x2048xi32>
    %eq3A_137 = arith.cmpi eq, %select_n3A_136, %iota3A_104 : vector<16x2048xi32>
    %jit3A_138 = arith.constant 1.000000e+00 : f32
    %jit3A_139 = arith.constant 0.000000e+00 : f32
    %broadcast_in_dim3A_140 = vector.broadcast %jit3A_138 : f32 to vector<16x2048xf32>
    %broadcast_in_dim3A_141 = vector.broadcast %jit3A_139 : f32 to vector<16x2048xf32>
    %select_n3A_142 = arith.select %eq3A_137, %broadcast_in_dim3A_140, %broadcast_in_dim3A_141 : vector<16x2048xi1>, vector<16x2048xf32>
    %mul3A_143 = vector.broadcast %convert_element_type3A : vector<2048x1xf32> to vector<2048x128xf32>
    %mul3A_144 = arith.mulf %mul3A_143, %select_n3A_103 : vector<2048x128xf32>
    %dot_general3A_145 = arith.constant dense<0.000000e+00> : vector<16x128xf32>
    %dot_general3A_146 = tpu.matmul %select_n3A_142, %mul3A_144, %dot_general3A_145 {dimension_numbers = #tpu.dot_dimension_numbers<[1], [0], [0], [1], [0, 0, 1, 1], [], []>, precision = #tpu.contract_precision<fp32>, transpose_lhs_hint = false} : vector<16x2048xf32>, vector<2048x128xf32>, vector<16x128xf32> -> vector<16x128xf32>
    %swap3A = arith.constant 0 : index
    %swap3A_147 = arith.constant 0 : index
    %swap3A_148 = vector.load %arg2[%swap3A, %swap3A_147] : memref<32x128xf32, #tpu.memory_space<vmem>>, vector<16x128xf32>
    tpu.vector_store %arg2[%swap3A, %swap3A_147], %dot_general3A_65 {strides = array<i32>} : memref<32x128xf32, #tpu.memory_space<vmem>>, vector<16x128xf32>,
    %swap3A_149 = arith.constant 16 : index
    %swap3A_150 = arith.constant 0 : index
    %swap3A_151 = vector.load %arg2[%swap3A_149, %swap3A_150] : memref<32x128xf32, #tpu.memory_space<vmem>>, vector<16x128xf32>
    tpu.vector_store %arg2[%swap3A_149, %swap3A_150], %dot_general3A_146 {strides = array<i32>} : memref<32x128xf32, #tpu.memory_space<vmem>>, vector<16x128xf32>,
    return
  }
  func.func @transform_0(%arg0: i32) -> (i32, i32) {
    %c0_i32 = arith.constant 0 : i32
    %c0_i32_0 = arith.constant 0 : i32
    return %arg0, %c0_i32 : i32, i32
  }
  func.func @transform_1(%arg0: i32) -> (i32, i32) {
    %c0_i32 = arith.constant 0 : i32
    %c0_i32_0 = arith.constant 0 : i32
    return %arg0, %c0_i32 : i32, i32
  }
}

module attributes {stable_mosaic.version = 14 : i64} {
  func.func @_ece_body(%arg0: memref<32x480xf32, #tpu.memory_space<vmem>>, %arg1: memref<1x1xf32, #tpu.memory_space<smem>>, %arg2: memref<1x1xf32, #tpu.memory_space<vmem>>) attributes {dimension_semantics = [], scalar_prefetch = 0 : i64, scratch_operands = 0 : i64, tpu.core_type = #tpu.core_type<tc>} {
    %get3A = arith.constant 0 : index
    %get3A_0 = arith.constant 0 : index
    %get3A_1 = vector.load %arg0[%get3A, %get3A_0] : memref<32x480xf32, #tpu.memory_space<vmem>>, vector<32x480xf32>
    %get3A_2 = arith.constant 0 : index
    %get3A_3 = arith.constant 0 : index
    %get3A_4 = memref.load %arg1[%get3A_2, %get3A_3] : memref<1x1xf32, #tpu.memory_space<smem>>
    %slice3A = vector.extract_strided_slice %get3A_1 {offsets = [0, 0], sizes = [32, 16], strides = [1, 1]} : vector<32x480xf32> to vector<32x16xf32>
    %reduce_sum3A = vector.shape_cast %slice3A : vector<32x16xf32> to vector<1x32x16xf32>
    %reduce_sum3A_5 = arith.constant dense<0.000000e+00> : vector<1xf32>
    %reduce_sum3A_6 = vector.multi_reduction <add>, %reduce_sum3A, %reduce_sum3A_5 [1, 2] : vector<1x32x16xf32> to vector<1xf32>
    %reduce_sum3A_7 = vector.shape_cast %reduce_sum3A_6 : vector<1xf32> to vector<1x1x1xf32>
    %reduce_sum3A_8 = vector.extract %reduce_sum3A_7[0, 0, 0] : f32 from vector<1x1x1xf32>
    %slice3A_9 = vector.extract_strided_slice %get3A_1 {offsets = [0, 16], sizes = [32, 16], strides = [1, 1]} : vector<32x480xf32> to vector<32x16xf32>
    %reduce_sum3A_10 = vector.shape_cast %slice3A_9 : vector<32x16xf32> to vector<1x32x16xf32>
    %reduce_sum3A_11 = arith.constant dense<0.000000e+00> : vector<1xf32>
    %reduce_sum3A_12 = vector.multi_reduction <add>, %reduce_sum3A_10, %reduce_sum3A_11 [1, 2] : vector<1x32x16xf32> to vector<1xf32>
    %reduce_sum3A_13 = vector.shape_cast %reduce_sum3A_12 : vector<1xf32> to vector<1x1x1xf32>
    %reduce_sum3A_14 = vector.extract %reduce_sum3A_13[0, 0, 0] : f32 from vector<1x1x1xf32>
    %mul3A = arith.mulf %reduce_sum3A_14, %get3A_4 : f32
    %slice3A_15 = vector.extract_strided_slice %get3A_1 {offsets = [0, 32], sizes = [32, 16], strides = [1, 1]} : vector<32x480xf32> to vector<32x16xf32>
    %reduce_sum3A_16 = vector.shape_cast %slice3A_15 : vector<32x16xf32> to vector<1x32x16xf32>
    %reduce_sum3A_17 = arith.constant dense<0.000000e+00> : vector<1xf32>
    %reduce_sum3A_18 = vector.multi_reduction <add>, %reduce_sum3A_16, %reduce_sum3A_17 [1, 2] : vector<1x32x16xf32> to vector<1xf32>
    %reduce_sum3A_19 = vector.shape_cast %reduce_sum3A_18 : vector<1xf32> to vector<1x1x1xf32>
    %reduce_sum3A_20 = vector.extract %reduce_sum3A_19[0, 0, 0] : f32 from vector<1x1x1xf32>
    %max3A = arith.constant 1.000000e+00 : f32
    %max3A_21 = arith.maximumf %reduce_sum3A_8, %max3A : f32
    %div3A = arith.divf %reduce_sum3A_20, %max3A_21 : f32
    %div3A_22 = arith.divf %mul3A, %max3A_21 : f32
    %sub3A = arith.subf %div3A, %div3A_22 : f32
    %abs3A = math.absf %sub3A : f32
    %div3A_23 = arith.constant 6.553600e+04 : f32
    %div3A_24 = arith.divf %reduce_sum3A_8, %div3A_23 : f32
    %mul3A_25 = arith.mulf %abs3A, %div3A_24 : f32
    %gt3A = arith.constant 0.000000e+00 : f32
    %gt3A_26 = arith.cmpf ogt, %reduce_sum3A_8, %gt3A : f32
    %jit3A = arith.constant 0.000000e+00 : f32
    %select_n3A = arith.select %gt3A_26, %mul3A_25, %jit3A : f32
    %add3A = arith.constant 0.000000e+00 : f32
    %add3A_27 = arith.addf %add3A, %select_n3A : f32
    %slice3A_28 = vector.extract_strided_slice %get3A_1 {offsets = [0, 48], sizes = [32, 16], strides = [1, 1]} : vector<32x480xf32> to vector<32x16xf32>
    %reduce_sum3A_29 = vector.shape_cast %slice3A_28 : vector<32x16xf32> to vector<1x32x16xf32>
    %reduce_sum3A_30 = arith.constant dense<0.000000e+00> : vector<1xf32>
    %reduce_sum3A_31 = vector.multi_reduction <add>, %reduce_sum3A_29, %reduce_sum3A_30 [1, 2] : vector<1x32x16xf32> to vector<1xf32>
    %reduce_sum3A_32 = vector.shape_cast %reduce_sum3A_31 : vector<1xf32> to vector<1x1x1xf32>
    %reduce_sum3A_33 = vector.extract %reduce_sum3A_32[0, 0, 0] : f32 from vector<1x1x1xf32>
    %slice3A_34 = vector.extract_strided_slice %get3A_1 {offsets = [0, 64], sizes = [32, 16], strides = [1, 1]} : vector<32x480xf32> to vector<32x16xf32>
    %reduce_sum3A_35 = vector.shape_cast %slice3A_34 : vector<32x16xf32> to vector<1x32x16xf32>
    %reduce_sum3A_36 = arith.constant dense<0.000000e+00> : vector<1xf32>
    %reduce_sum3A_37 = vector.multi_reduction <add>, %reduce_sum3A_35, %reduce_sum3A_36 [1, 2] : vector<1x32x16xf32> to vector<1xf32>
    %reduce_sum3A_38 = vector.shape_cast %reduce_sum3A_37 : vector<1xf32> to vector<1x1x1xf32>
    %reduce_sum3A_39 = vector.extract %reduce_sum3A_38[0, 0, 0] : f32 from vector<1x1x1xf32>
    %mul3A_40 = arith.mulf %reduce_sum3A_39, %get3A_4 : f32
    %slice3A_41 = vector.extract_strided_slice %get3A_1 {offsets = [0, 80], sizes = [32, 16], strides = [1, 1]} : vector<32x480xf32> to vector<32x16xf32>
    %reduce_sum3A_42 = vector.shape_cast %slice3A_41 : vector<32x16xf32> to vector<1x32x16xf32>
    %reduce_sum3A_43 = arith.constant dense<0.000000e+00> : vector<1xf32>
    %reduce_sum3A_44 = vector.multi_reduction <add>, %reduce_sum3A_42, %reduce_sum3A_43 [1, 2] : vector<1x32x16xf32> to vector<1xf32>
    %reduce_sum3A_45 = vector.shape_cast %reduce_sum3A_44 : vector<1xf32> to vector<1x1x1xf32>
    %reduce_sum3A_46 = vector.extract %reduce_sum3A_45[0, 0, 0] : f32 from vector<1x1x1xf32>
    %max3A_47 = arith.constant 1.000000e+00 : f32
    %max3A_48 = arith.maximumf %reduce_sum3A_33, %max3A_47 : f32
    %div3A_49 = arith.divf %reduce_sum3A_46, %max3A_48 : f32
    %div3A_50 = arith.divf %mul3A_40, %max3A_48 : f32
    %sub3A_51 = arith.subf %div3A_49, %div3A_50 : f32
    %abs3A_52 = math.absf %sub3A_51 : f32
    %div3A_53 = arith.constant 6.553600e+04 : f32
    %div3A_54 = arith.divf %reduce_sum3A_33, %div3A_53 : f32
    %mul3A_55 = arith.mulf %abs3A_52, %div3A_54 : f32
    %gt3A_56 = arith.constant 0.000000e+00 : f32
    %gt3A_57 = arith.cmpf ogt, %reduce_sum3A_33, %gt3A_56 : f32
    %jit3A_58 = arith.constant 0.000000e+00 : f32
    %select_n3A_59 = arith.select %gt3A_57, %mul3A_55, %jit3A_58 : f32
    %add3A_60 = arith.addf %add3A_27, %select_n3A_59 : f32
    %slice3A_61 = vector.extract_strided_slice %get3A_1 {offsets = [0, 96], sizes = [32, 16], strides = [1, 1]} : vector<32x480xf32> to vector<32x16xf32>
    %reduce_sum3A_62 = vector.shape_cast %slice3A_61 : vector<32x16xf32> to vector<1x32x16xf32>
    %reduce_sum3A_63 = arith.constant dense<0.000000e+00> : vector<1xf32>
    %reduce_sum3A_64 = vector.multi_reduction <add>, %reduce_sum3A_62, %reduce_sum3A_63 [1, 2] : vector<1x32x16xf32> to vector<1xf32>
    %reduce_sum3A_65 = vector.shape_cast %reduce_sum3A_64 : vector<1xf32> to vector<1x1x1xf32>
    %reduce_sum3A_66 = vector.extract %reduce_sum3A_65[0, 0, 0] : f32 from vector<1x1x1xf32>
    %slice3A_67 = vector.extract_strided_slice %get3A_1 {offsets = [0, 112], sizes = [32, 16], strides = [1, 1]} : vector<32x480xf32> to vector<32x16xf32>
    %reduce_sum3A_68 = vector.shape_cast %slice3A_67 : vector<32x16xf32> to vector<1x32x16xf32>
    %reduce_sum3A_69 = arith.constant dense<0.000000e+00> : vector<1xf32>
    %reduce_sum3A_70 = vector.multi_reduction <add>, %reduce_sum3A_68, %reduce_sum3A_69 [1, 2] : vector<1x32x16xf32> to vector<1xf32>
    %reduce_sum3A_71 = vector.shape_cast %reduce_sum3A_70 : vector<1xf32> to vector<1x1x1xf32>
    %reduce_sum3A_72 = vector.extract %reduce_sum3A_71[0, 0, 0] : f32 from vector<1x1x1xf32>
    %mul3A_73 = arith.mulf %reduce_sum3A_72, %get3A_4 : f32
    %slice3A_74 = vector.extract_strided_slice %get3A_1 {offsets = [0, 128], sizes = [32, 16], strides = [1, 1]} : vector<32x480xf32> to vector<32x16xf32>
    %reduce_sum3A_75 = vector.shape_cast %slice3A_74 : vector<32x16xf32> to vector<1x32x16xf32>
    %reduce_sum3A_76 = arith.constant dense<0.000000e+00> : vector<1xf32>
    %reduce_sum3A_77 = vector.multi_reduction <add>, %reduce_sum3A_75, %reduce_sum3A_76 [1, 2] : vector<1x32x16xf32> to vector<1xf32>
    %reduce_sum3A_78 = vector.shape_cast %reduce_sum3A_77 : vector<1xf32> to vector<1x1x1xf32>
    %reduce_sum3A_79 = vector.extract %reduce_sum3A_78[0, 0, 0] : f32 from vector<1x1x1xf32>
    %max3A_80 = arith.constant 1.000000e+00 : f32
    %max3A_81 = arith.maximumf %reduce_sum3A_66, %max3A_80 : f32
    %div3A_82 = arith.divf %reduce_sum3A_79, %max3A_81 : f32
    %div3A_83 = arith.divf %mul3A_73, %max3A_81 : f32
    %sub3A_84 = arith.subf %div3A_82, %div3A_83 : f32
    %abs3A_85 = math.absf %sub3A_84 : f32
    %div3A_86 = arith.constant 6.553600e+04 : f32
    %div3A_87 = arith.divf %reduce_sum3A_66, %div3A_86 : f32
    %mul3A_88 = arith.mulf %abs3A_85, %div3A_87 : f32
    %gt3A_89 = arith.constant 0.000000e+00 : f32
    %gt3A_90 = arith.cmpf ogt, %reduce_sum3A_66, %gt3A_89 : f32
    %jit3A_91 = arith.constant 0.000000e+00 : f32
    %select_n3A_92 = arith.select %gt3A_90, %mul3A_88, %jit3A_91 : f32
    %add3A_93 = arith.addf %add3A_60, %select_n3A_92 : f32
    %slice3A_94 = vector.extract_strided_slice %get3A_1 {offsets = [0, 144], sizes = [32, 16], strides = [1, 1]} : vector<32x480xf32> to vector<32x16xf32>
    %reduce_sum3A_95 = vector.shape_cast %slice3A_94 : vector<32x16xf32> to vector<1x32x16xf32>
    %reduce_sum3A_96 = arith.constant dense<0.000000e+00> : vector<1xf32>
    %reduce_sum3A_97 = vector.multi_reduction <add>, %reduce_sum3A_95, %reduce_sum3A_96 [1, 2] : vector<1x32x16xf32> to vector<1xf32>
    %reduce_sum3A_98 = vector.shape_cast %reduce_sum3A_97 : vector<1xf32> to vector<1x1x1xf32>
    %reduce_sum3A_99 = vector.extract %reduce_sum3A_98[0, 0, 0] : f32 from vector<1x1x1xf32>
    %slice3A_100 = vector.extract_strided_slice %get3A_1 {offsets = [0, 160], sizes = [32, 16], strides = [1, 1]} : vector<32x480xf32> to vector<32x16xf32>
    %reduce_sum3A_101 = vector.shape_cast %slice3A_100 : vector<32x16xf32> to vector<1x32x16xf32>
    %reduce_sum3A_102 = arith.constant dense<0.000000e+00> : vector<1xf32>
    %reduce_sum3A_103 = vector.multi_reduction <add>, %reduce_sum3A_101, %reduce_sum3A_102 [1, 2] : vector<1x32x16xf32> to vector<1xf32>
    %reduce_sum3A_104 = vector.shape_cast %reduce_sum3A_103 : vector<1xf32> to vector<1x1x1xf32>
    %reduce_sum3A_105 = vector.extract %reduce_sum3A_104[0, 0, 0] : f32 from vector<1x1x1xf32>
    %mul3A_106 = arith.mulf %reduce_sum3A_105, %get3A_4 : f32
    %slice3A_107 = vector.extract_strided_slice %get3A_1 {offsets = [0, 176], sizes = [32, 16], strides = [1, 1]} : vector<32x480xf32> to vector<32x16xf32>
    %reduce_sum3A_108 = vector.shape_cast %slice3A_107 : vector<32x16xf32> to vector<1x32x16xf32>
    %reduce_sum3A_109 = arith.constant dense<0.000000e+00> : vector<1xf32>
    %reduce_sum3A_110 = vector.multi_reduction <add>, %reduce_sum3A_108, %reduce_sum3A_109 [1, 2] : vector<1x32x16xf32> to vector<1xf32>
    %reduce_sum3A_111 = vector.shape_cast %reduce_sum3A_110 : vector<1xf32> to vector<1x1x1xf32>
    %reduce_sum3A_112 = vector.extract %reduce_sum3A_111[0, 0, 0] : f32 from vector<1x1x1xf32>
    %max3A_113 = arith.constant 1.000000e+00 : f32
    %max3A_114 = arith.maximumf %reduce_sum3A_99, %max3A_113 : f32
    %div3A_115 = arith.divf %reduce_sum3A_112, %max3A_114 : f32
    %div3A_116 = arith.divf %mul3A_106, %max3A_114 : f32
    %sub3A_117 = arith.subf %div3A_115, %div3A_116 : f32
    %abs3A_118 = math.absf %sub3A_117 : f32
    %div3A_119 = arith.constant 6.553600e+04 : f32
    %div3A_120 = arith.divf %reduce_sum3A_99, %div3A_119 : f32
    %mul3A_121 = arith.mulf %abs3A_118, %div3A_120 : f32
    %gt3A_122 = arith.constant 0.000000e+00 : f32
    %gt3A_123 = arith.cmpf ogt, %reduce_sum3A_99, %gt3A_122 : f32
    %jit3A_124 = arith.constant 0.000000e+00 : f32
    %select_n3A_125 = arith.select %gt3A_123, %mul3A_121, %jit3A_124 : f32
    %add3A_126 = arith.addf %add3A_93, %select_n3A_125 : f32
    %slice3A_127 = vector.extract_strided_slice %get3A_1 {offsets = [0, 192], sizes = [32, 16], strides = [1, 1]} : vector<32x480xf32> to vector<32x16xf32>
    %reduce_sum3A_128 = vector.shape_cast %slice3A_127 : vector<32x16xf32> to vector<1x32x16xf32>
    %reduce_sum3A_129 = arith.constant dense<0.000000e+00> : vector<1xf32>
    %reduce_sum3A_130 = vector.multi_reduction <add>, %reduce_sum3A_128, %reduce_sum3A_129 [1, 2] : vector<1x32x16xf32> to vector<1xf32>
    %reduce_sum3A_131 = vector.shape_cast %reduce_sum3A_130 : vector<1xf32> to vector<1x1x1xf32>
    %reduce_sum3A_132 = vector.extract %reduce_sum3A_131[0, 0, 0] : f32 from vector<1x1x1xf32>
    %slice3A_133 = vector.extract_strided_slice %get3A_1 {offsets = [0, 208], sizes = [32, 16], strides = [1, 1]} : vector<32x480xf32> to vector<32x16xf32>
    %reduce_sum3A_134 = vector.shape_cast %slice3A_133 : vector<32x16xf32> to vector<1x32x16xf32>
    %reduce_sum3A_135 = arith.constant dense<0.000000e+00> : vector<1xf32>
    %reduce_sum3A_136 = vector.multi_reduction <add>, %reduce_sum3A_134, %reduce_sum3A_135 [1, 2] : vector<1x32x16xf32> to vector<1xf32>
    %reduce_sum3A_137 = vector.shape_cast %reduce_sum3A_136 : vector<1xf32> to vector<1x1x1xf32>
    %reduce_sum3A_138 = vector.extract %reduce_sum3A_137[0, 0, 0] : f32 from vector<1x1x1xf32>
    %mul3A_139 = arith.mulf %reduce_sum3A_138, %get3A_4 : f32
    %slice3A_140 = vector.extract_strided_slice %get3A_1 {offsets = [0, 224], sizes = [32, 16], strides = [1, 1]} : vector<32x480xf32> to vector<32x16xf32>
    %reduce_sum3A_141 = vector.shape_cast %slice3A_140 : vector<32x16xf32> to vector<1x32x16xf32>
    %reduce_sum3A_142 = arith.constant dense<0.000000e+00> : vector<1xf32>
    %reduce_sum3A_143 = vector.multi_reduction <add>, %reduce_sum3A_141, %reduce_sum3A_142 [1, 2] : vector<1x32x16xf32> to vector<1xf32>
    %reduce_sum3A_144 = vector.shape_cast %reduce_sum3A_143 : vector<1xf32> to vector<1x1x1xf32>
    %reduce_sum3A_145 = vector.extract %reduce_sum3A_144[0, 0, 0] : f32 from vector<1x1x1xf32>
    %max3A_146 = arith.constant 1.000000e+00 : f32
    %max3A_147 = arith.maximumf %reduce_sum3A_132, %max3A_146 : f32
    %div3A_148 = arith.divf %reduce_sum3A_145, %max3A_147 : f32
    %div3A_149 = arith.divf %mul3A_139, %max3A_147 : f32
    %sub3A_150 = arith.subf %div3A_148, %div3A_149 : f32
    %abs3A_151 = math.absf %sub3A_150 : f32
    %div3A_152 = arith.constant 6.553600e+04 : f32
    %div3A_153 = arith.divf %reduce_sum3A_132, %div3A_152 : f32
    %mul3A_154 = arith.mulf %abs3A_151, %div3A_153 : f32
    %gt3A_155 = arith.constant 0.000000e+00 : f32
    %gt3A_156 = arith.cmpf ogt, %reduce_sum3A_132, %gt3A_155 : f32
    %jit3A_157 = arith.constant 0.000000e+00 : f32
    %select_n3A_158 = arith.select %gt3A_156, %mul3A_154, %jit3A_157 : f32
    %add3A_159 = arith.addf %add3A_126, %select_n3A_158 : f32
    %slice3A_160 = vector.extract_strided_slice %get3A_1 {offsets = [0, 240], sizes = [32, 16], strides = [1, 1]} : vector<32x480xf32> to vector<32x16xf32>
    %reduce_sum3A_161 = vector.shape_cast %slice3A_160 : vector<32x16xf32> to vector<1x32x16xf32>
    %reduce_sum3A_162 = arith.constant dense<0.000000e+00> : vector<1xf32>
    %reduce_sum3A_163 = vector.multi_reduction <add>, %reduce_sum3A_161, %reduce_sum3A_162 [1, 2] : vector<1x32x16xf32> to vector<1xf32>
    %reduce_sum3A_164 = vector.shape_cast %reduce_sum3A_163 : vector<1xf32> to vector<1x1x1xf32>
    %reduce_sum3A_165 = vector.extract %reduce_sum3A_164[0, 0, 0] : f32 from vector<1x1x1xf32>
    %slice3A_166 = vector.extract_strided_slice %get3A_1 {offsets = [0, 256], sizes = [32, 16], strides = [1, 1]} : vector<32x480xf32> to vector<32x16xf32>
    %reduce_sum3A_167 = vector.shape_cast %slice3A_166 : vector<32x16xf32> to vector<1x32x16xf32>
    %reduce_sum3A_168 = arith.constant dense<0.000000e+00> : vector<1xf32>
    %reduce_sum3A_169 = vector.multi_reduction <add>, %reduce_sum3A_167, %reduce_sum3A_168 [1, 2] : vector<1x32x16xf32> to vector<1xf32>
    %reduce_sum3A_170 = vector.shape_cast %reduce_sum3A_169 : vector<1xf32> to vector<1x1x1xf32>
    %reduce_sum3A_171 = vector.extract %reduce_sum3A_170[0, 0, 0] : f32 from vector<1x1x1xf32>
    %mul3A_172 = arith.mulf %reduce_sum3A_171, %get3A_4 : f32
    %slice3A_173 = vector.extract_strided_slice %get3A_1 {offsets = [0, 272], sizes = [32, 16], strides = [1, 1]} : vector<32x480xf32> to vector<32x16xf32>
    %reduce_sum3A_174 = vector.shape_cast %slice3A_173 : vector<32x16xf32> to vector<1x32x16xf32>
    %reduce_sum3A_175 = arith.constant dense<0.000000e+00> : vector<1xf32>
    %reduce_sum3A_176 = vector.multi_reduction <add>, %reduce_sum3A_174, %reduce_sum3A_175 [1, 2] : vector<1x32x16xf32> to vector<1xf32>
    %reduce_sum3A_177 = vector.shape_cast %reduce_sum3A_176 : vector<1xf32> to vector<1x1x1xf32>
    %reduce_sum3A_178 = vector.extract %reduce_sum3A_177[0, 0, 0] : f32 from vector<1x1x1xf32>
    %max3A_179 = arith.constant 1.000000e+00 : f32
    %max3A_180 = arith.maximumf %reduce_sum3A_165, %max3A_179 : f32
    %div3A_181 = arith.divf %reduce_sum3A_178, %max3A_180 : f32
    %div3A_182 = arith.divf %mul3A_172, %max3A_180 : f32
    %sub3A_183 = arith.subf %div3A_181, %div3A_182 : f32
    %abs3A_184 = math.absf %sub3A_183 : f32
    %div3A_185 = arith.constant 6.553600e+04 : f32
    %div3A_186 = arith.divf %reduce_sum3A_165, %div3A_185 : f32
    %mul3A_187 = arith.mulf %abs3A_184, %div3A_186 : f32
    %gt3A_188 = arith.constant 0.000000e+00 : f32
    %gt3A_189 = arith.cmpf ogt, %reduce_sum3A_165, %gt3A_188 : f32
    %jit3A_190 = arith.constant 0.000000e+00 : f32
    %select_n3A_191 = arith.select %gt3A_189, %mul3A_187, %jit3A_190 : f32
    %add3A_192 = arith.addf %add3A_159, %select_n3A_191 : f32
    %slice3A_193 = vector.extract_strided_slice %get3A_1 {offsets = [0, 288], sizes = [32, 16], strides = [1, 1]} : vector<32x480xf32> to vector<32x16xf32>
    %reduce_sum3A_194 = vector.shape_cast %slice3A_193 : vector<32x16xf32> to vector<1x32x16xf32>
    %reduce_sum3A_195 = arith.constant dense<0.000000e+00> : vector<1xf32>
    %reduce_sum3A_196 = vector.multi_reduction <add>, %reduce_sum3A_194, %reduce_sum3A_195 [1, 2] : vector<1x32x16xf32> to vector<1xf32>
    %reduce_sum3A_197 = vector.shape_cast %reduce_sum3A_196 : vector<1xf32> to vector<1x1x1xf32>
    %reduce_sum3A_198 = vector.extract %reduce_sum3A_197[0, 0, 0] : f32 from vector<1x1x1xf32>
    %slice3A_199 = vector.extract_strided_slice %get3A_1 {offsets = [0, 304], sizes = [32, 16], strides = [1, 1]} : vector<32x480xf32> to vector<32x16xf32>
    %reduce_sum3A_200 = vector.shape_cast %slice3A_199 : vector<32x16xf32> to vector<1x32x16xf32>
    %reduce_sum3A_201 = arith.constant dense<0.000000e+00> : vector<1xf32>
    %reduce_sum3A_202 = vector.multi_reduction <add>, %reduce_sum3A_200, %reduce_sum3A_201 [1, 2] : vector<1x32x16xf32> to vector<1xf32>
    %reduce_sum3A_203 = vector.shape_cast %reduce_sum3A_202 : vector<1xf32> to vector<1x1x1xf32>
    %reduce_sum3A_204 = vector.extract %reduce_sum3A_203[0, 0, 0] : f32 from vector<1x1x1xf32>
    %mul3A_205 = arith.mulf %reduce_sum3A_204, %get3A_4 : f32
    %slice3A_206 = vector.extract_strided_slice %get3A_1 {offsets = [0, 320], sizes = [32, 16], strides = [1, 1]} : vector<32x480xf32> to vector<32x16xf32>
    %reduce_sum3A_207 = vector.shape_cast %slice3A_206 : vector<32x16xf32> to vector<1x32x16xf32>
    %reduce_sum3A_208 = arith.constant dense<0.000000e+00> : vector<1xf32>
    %reduce_sum3A_209 = vector.multi_reduction <add>, %reduce_sum3A_207, %reduce_sum3A_208 [1, 2] : vector<1x32x16xf32> to vector<1xf32>
    %reduce_sum3A_210 = vector.shape_cast %reduce_sum3A_209 : vector<1xf32> to vector<1x1x1xf32>
    %reduce_sum3A_211 = vector.extract %reduce_sum3A_210[0, 0, 0] : f32 from vector<1x1x1xf32>
    %max3A_212 = arith.constant 1.000000e+00 : f32
    %max3A_213 = arith.maximumf %reduce_sum3A_198, %max3A_212 : f32
    %div3A_214 = arith.divf %reduce_sum3A_211, %max3A_213 : f32
    %div3A_215 = arith.divf %mul3A_205, %max3A_213 : f32
    %sub3A_216 = arith.subf %div3A_214, %div3A_215 : f32
    %abs3A_217 = math.absf %sub3A_216 : f32
    %div3A_218 = arith.constant 6.553600e+04 : f32
    %div3A_219 = arith.divf %reduce_sum3A_198, %div3A_218 : f32
    %mul3A_220 = arith.mulf %abs3A_217, %div3A_219 : f32
    %gt3A_221 = arith.constant 0.000000e+00 : f32
    %gt3A_222 = arith.cmpf ogt, %reduce_sum3A_198, %gt3A_221 : f32
    %jit3A_223 = arith.constant 0.000000e+00 : f32
    %select_n3A_224 = arith.select %gt3A_222, %mul3A_220, %jit3A_223 : f32
    %add3A_225 = arith.addf %add3A_192, %select_n3A_224 : f32
    %slice3A_226 = vector.extract_strided_slice %get3A_1 {offsets = [0, 336], sizes = [32, 16], strides = [1, 1]} : vector<32x480xf32> to vector<32x16xf32>
    %reduce_sum3A_227 = vector.shape_cast %slice3A_226 : vector<32x16xf32> to vector<1x32x16xf32>
    %reduce_sum3A_228 = arith.constant dense<0.000000e+00> : vector<1xf32>
    %reduce_sum3A_229 = vector.multi_reduction <add>, %reduce_sum3A_227, %reduce_sum3A_228 [1, 2] : vector<1x32x16xf32> to vector<1xf32>
    %reduce_sum3A_230 = vector.shape_cast %reduce_sum3A_229 : vector<1xf32> to vector<1x1x1xf32>
    %reduce_sum3A_231 = vector.extract %reduce_sum3A_230[0, 0, 0] : f32 from vector<1x1x1xf32>
    %slice3A_232 = vector.extract_strided_slice %get3A_1 {offsets = [0, 352], sizes = [32, 16], strides = [1, 1]} : vector<32x480xf32> to vector<32x16xf32>
    %reduce_sum3A_233 = vector.shape_cast %slice3A_232 : vector<32x16xf32> to vector<1x32x16xf32>
    %reduce_sum3A_234 = arith.constant dense<0.000000e+00> : vector<1xf32>
    %reduce_sum3A_235 = vector.multi_reduction <add>, %reduce_sum3A_233, %reduce_sum3A_234 [1, 2] : vector<1x32x16xf32> to vector<1xf32>
    %reduce_sum3A_236 = vector.shape_cast %reduce_sum3A_235 : vector<1xf32> to vector<1x1x1xf32>
    %reduce_sum3A_237 = vector.extract %reduce_sum3A_236[0, 0, 0] : f32 from vector<1x1x1xf32>
    %mul3A_238 = arith.mulf %reduce_sum3A_237, %get3A_4 : f32
    %slice3A_239 = vector.extract_strided_slice %get3A_1 {offsets = [0, 368], sizes = [32, 16], strides = [1, 1]} : vector<32x480xf32> to vector<32x16xf32>
    %reduce_sum3A_240 = vector.shape_cast %slice3A_239 : vector<32x16xf32> to vector<1x32x16xf32>
    %reduce_sum3A_241 = arith.constant dense<0.000000e+00> : vector<1xf32>
    %reduce_sum3A_242 = vector.multi_reduction <add>, %reduce_sum3A_240, %reduce_sum3A_241 [1, 2] : vector<1x32x16xf32> to vector<1xf32>
    %reduce_sum3A_243 = vector.shape_cast %reduce_sum3A_242 : vector<1xf32> to vector<1x1x1xf32>
    %reduce_sum3A_244 = vector.extract %reduce_sum3A_243[0, 0, 0] : f32 from vector<1x1x1xf32>
    %max3A_245 = arith.constant 1.000000e+00 : f32
    %max3A_246 = arith.maximumf %reduce_sum3A_231, %max3A_245 : f32
    %div3A_247 = arith.divf %reduce_sum3A_244, %max3A_246 : f32
    %div3A_248 = arith.divf %mul3A_238, %max3A_246 : f32
    %sub3A_249 = arith.subf %div3A_247, %div3A_248 : f32
    %abs3A_250 = math.absf %sub3A_249 : f32
    %div3A_251 = arith.constant 6.553600e+04 : f32
    %div3A_252 = arith.divf %reduce_sum3A_231, %div3A_251 : f32
    %mul3A_253 = arith.mulf %abs3A_250, %div3A_252 : f32
    %gt3A_254 = arith.constant 0.000000e+00 : f32
    %gt3A_255 = arith.cmpf ogt, %reduce_sum3A_231, %gt3A_254 : f32
    %jit3A_256 = arith.constant 0.000000e+00 : f32
    %select_n3A_257 = arith.select %gt3A_255, %mul3A_253, %jit3A_256 : f32
    %add3A_258 = arith.addf %add3A_225, %select_n3A_257 : f32
    %slice3A_259 = vector.extract_strided_slice %get3A_1 {offsets = [0, 384], sizes = [32, 16], strides = [1, 1]} : vector<32x480xf32> to vector<32x16xf32>
    %reduce_sum3A_260 = vector.shape_cast %slice3A_259 : vector<32x16xf32> to vector<1x32x16xf32>
    %reduce_sum3A_261 = arith.constant dense<0.000000e+00> : vector<1xf32>
    %reduce_sum3A_262 = vector.multi_reduction <add>, %reduce_sum3A_260, %reduce_sum3A_261 [1, 2] : vector<1x32x16xf32> to vector<1xf32>
    %reduce_sum3A_263 = vector.shape_cast %reduce_sum3A_262 : vector<1xf32> to vector<1x1x1xf32>
    %reduce_sum3A_264 = vector.extract %reduce_sum3A_263[0, 0, 0] : f32 from vector<1x1x1xf32>
    %slice3A_265 = vector.extract_strided_slice %get3A_1 {offsets = [0, 400], sizes = [32, 16], strides = [1, 1]} : vector<32x480xf32> to vector<32x16xf32>
    %reduce_sum3A_266 = vector.shape_cast %slice3A_265 : vector<32x16xf32> to vector<1x32x16xf32>
    %reduce_sum3A_267 = arith.constant dense<0.000000e+00> : vector<1xf32>
    %reduce_sum3A_268 = vector.multi_reduction <add>, %reduce_sum3A_266, %reduce_sum3A_267 [1, 2] : vector<1x32x16xf32> to vector<1xf32>
    %reduce_sum3A_269 = vector.shape_cast %reduce_sum3A_268 : vector<1xf32> to vector<1x1x1xf32>
    %reduce_sum3A_270 = vector.extract %reduce_sum3A_269[0, 0, 0] : f32 from vector<1x1x1xf32>
    %mul3A_271 = arith.mulf %reduce_sum3A_270, %get3A_4 : f32
    %slice3A_272 = vector.extract_strided_slice %get3A_1 {offsets = [0, 416], sizes = [32, 16], strides = [1, 1]} : vector<32x480xf32> to vector<32x16xf32>
    %reduce_sum3A_273 = vector.shape_cast %slice3A_272 : vector<32x16xf32> to vector<1x32x16xf32>
    %reduce_sum3A_274 = arith.constant dense<0.000000e+00> : vector<1xf32>
    %reduce_sum3A_275 = vector.multi_reduction <add>, %reduce_sum3A_273, %reduce_sum3A_274 [1, 2] : vector<1x32x16xf32> to vector<1xf32>
    %reduce_sum3A_276 = vector.shape_cast %reduce_sum3A_275 : vector<1xf32> to vector<1x1x1xf32>
    %reduce_sum3A_277 = vector.extract %reduce_sum3A_276[0, 0, 0] : f32 from vector<1x1x1xf32>
    %max3A_278 = arith.constant 1.000000e+00 : f32
    %max3A_279 = arith.maximumf %reduce_sum3A_264, %max3A_278 : f32
    %div3A_280 = arith.divf %reduce_sum3A_277, %max3A_279 : f32
    %div3A_281 = arith.divf %mul3A_271, %max3A_279 : f32
    %sub3A_282 = arith.subf %div3A_280, %div3A_281 : f32
    %abs3A_283 = math.absf %sub3A_282 : f32
    %div3A_284 = arith.constant 6.553600e+04 : f32
    %div3A_285 = arith.divf %reduce_sum3A_264, %div3A_284 : f32
    %mul3A_286 = arith.mulf %abs3A_283, %div3A_285 : f32
    %gt3A_287 = arith.constant 0.000000e+00 : f32
    %gt3A_288 = arith.cmpf ogt, %reduce_sum3A_264, %gt3A_287 : f32
    %jit3A_289 = arith.constant 0.000000e+00 : f32
    %select_n3A_290 = arith.select %gt3A_288, %mul3A_286, %jit3A_289 : f32
    %add3A_291 = arith.addf %add3A_258, %select_n3A_290 : f32
    %slice3A_292 = vector.extract_strided_slice %get3A_1 {offsets = [0, 432], sizes = [32, 16], strides = [1, 1]} : vector<32x480xf32> to vector<32x16xf32>
    %reduce_sum3A_293 = vector.shape_cast %slice3A_292 : vector<32x16xf32> to vector<1x32x16xf32>
    %reduce_sum3A_294 = arith.constant dense<0.000000e+00> : vector<1xf32>
    %reduce_sum3A_295 = vector.multi_reduction <add>, %reduce_sum3A_293, %reduce_sum3A_294 [1, 2] : vector<1x32x16xf32> to vector<1xf32>
    %reduce_sum3A_296 = vector.shape_cast %reduce_sum3A_295 : vector<1xf32> to vector<1x1x1xf32>
    %reduce_sum3A_297 = vector.extract %reduce_sum3A_296[0, 0, 0] : f32 from vector<1x1x1xf32>
    %slice3A_298 = vector.extract_strided_slice %get3A_1 {offsets = [0, 448], sizes = [32, 16], strides = [1, 1]} : vector<32x480xf32> to vector<32x16xf32>
    %reduce_sum3A_299 = vector.shape_cast %slice3A_298 : vector<32x16xf32> to vector<1x32x16xf32>
    %reduce_sum3A_300 = arith.constant dense<0.000000e+00> : vector<1xf32>
    %reduce_sum3A_301 = vector.multi_reduction <add>, %reduce_sum3A_299, %reduce_sum3A_300 [1, 2] : vector<1x32x16xf32> to vector<1xf32>
    %reduce_sum3A_302 = vector.shape_cast %reduce_sum3A_301 : vector<1xf32> to vector<1x1x1xf32>
    %reduce_sum3A_303 = vector.extract %reduce_sum3A_302[0, 0, 0] : f32 from vector<1x1x1xf32>
    %mul3A_304 = arith.mulf %reduce_sum3A_303, %get3A_4 : f32
    %slice3A_305 = vector.extract_strided_slice %get3A_1 {offsets = [0, 464], sizes = [32, 16], strides = [1, 1]} : vector<32x480xf32> to vector<32x16xf32>
    %reduce_sum3A_306 = vector.shape_cast %slice3A_305 : vector<32x16xf32> to vector<1x32x16xf32>
    %reduce_sum3A_307 = arith.constant dense<0.000000e+00> : vector<1xf32>
    %reduce_sum3A_308 = vector.multi_reduction <add>, %reduce_sum3A_306, %reduce_sum3A_307 [1, 2] : vector<1x32x16xf32> to vector<1xf32>
    %reduce_sum3A_309 = vector.shape_cast %reduce_sum3A_308 : vector<1xf32> to vector<1x1x1xf32>
    %reduce_sum3A_310 = vector.extract %reduce_sum3A_309[0, 0, 0] : f32 from vector<1x1x1xf32>
    %max3A_311 = arith.constant 1.000000e+00 : f32
    %max3A_312 = arith.maximumf %reduce_sum3A_297, %max3A_311 : f32
    %div3A_313 = arith.divf %reduce_sum3A_310, %max3A_312 : f32
    %div3A_314 = arith.divf %mul3A_304, %max3A_312 : f32
    %sub3A_315 = arith.subf %div3A_313, %div3A_314 : f32
    %abs3A_316 = math.absf %sub3A_315 : f32
    %div3A_317 = arith.constant 6.553600e+04 : f32
    %div3A_318 = arith.divf %reduce_sum3A_297, %div3A_317 : f32
    %mul3A_319 = arith.mulf %abs3A_316, %div3A_318 : f32
    %gt3A_320 = arith.constant 0.000000e+00 : f32
    %gt3A_321 = arith.cmpf ogt, %reduce_sum3A_297, %gt3A_320 : f32
    %jit3A_322 = arith.constant 0.000000e+00 : f32
    %select_n3A_323 = arith.select %gt3A_321, %mul3A_319, %jit3A_322 : f32
    %add3A_324 = arith.addf %add3A_291, %select_n3A_323 : f32
    %broadcast_in_dim3A = vector.broadcast %add3A_324 : f32 to vector<1x1xf32>
    %swap3A = arith.constant 0 : index
    %swap3A_325 = arith.constant 0 : index
    %swap3A_326 = vector.load %arg2[%swap3A, %swap3A_325] : memref<1x1xf32, #tpu.memory_space<vmem>>, vector<1x1xf32>
    tpu.vector_store %arg2[%swap3A, %swap3A_325], %broadcast_in_dim3A {strides = array<i32>} : memref<1x1xf32, #tpu.memory_space<vmem>>, vector<1x1xf32>,
    return
  }
}

</mosaic_0001>

<sc_bundles>
// kernel: kernel.5.cloned.1.call-start
scs
__scs_entry_jumppad:
0x0: {  	(pc) =	sbr.rel $0x88, $3  }
0x1: {  	(tag) =	ssettag $0x0;
	lr =	simm.s32 $0x1  }
0x2: {  	[smem:$0x3F9E] =	sst lr;
	_ =	strace $0xD0000000  }
0x3: {  	_ = 	snop  }
0x4: {  	_ = 	snop  }
0x5: {  	_ = 	snop  }
0x6: {  	_ = 	snop  }
0x7: {  	_ = 	snop  }
__scs_overlays_trampoline_lowered:
0x8: {  	[smem:$0x3FAD] =	sst s0  }
0x9: {  	[smem:$0x3FAE] =	sst s1  }
0xa: {  	[smem:$0x3FAF] =	sst s2  }
0xb: {  	[smem:$0x3FB0] =	sst s3  }
0xc: {  	[smem:$0x3FB1] =	sst s4  }
0xd: {  	[smem:$0x3FB2] =	sst s5  }
0xe: {  	[smem:$0x3FB3] =	sst s6  }
0xf: {  	[smem:$0x3FB4] =	sst s7  }
0x10: {  	[smem:$0x3FB5] =	sst s8  }
0x11: {  	[smem:$0x3FB6] =	sst s9;
	s0 =	simm.s32 @!p0 $0x0  }
0x12: {  	s1 =	sld [smem:$0x3F9C];
	s0 =	simm.s32 @p0 $0x1  }
0x13: {  	[smem:$0x3FB7] =	sst s0;
	s0 =	simm.s32 @!p1 $0x0  }
0x14: {  	s2 =	sld [smem:$0x3F9B];
	s0 =	simm.s32 @p1 $0x1  }
0x15: {  	[smem:$0x3FB8] =	sst s0;
	s0 =	simm.s32 @!p2 $0x0  }
0x16: {  	s3 =	sld [smem:$0x3FDB];
	s0 =	simm.s32 @p2 $0x1  }
0x17: {  	s4 =	simm.s32 $0x1BF5;
	[smem:$0x3FBA] =	sst s0  }
0x18: {  	s0 =	sld [smem:$0x3F9D];
	_ =	swait.ge [sflag:s4], $0x0  }
0x19: {  	s7 =	sld [smem:$0x3F9E]  }
0x1a: {  	s8 =	sadd.s32 $0xFFFFE003, lr  }
0x1b: {  	s9 =	sadd.s32 $0xFFFFFEF7, lr;
	s5 =	simm.s32 $0xFFFFFFFF;
	p2 =	slt.u32 s8, $0xFFFFF086  }
0x1c: {  	p1 =	slt.u32 s9, $0xF7A;
	s5 =	simm.s32 @!p2 $0x0  }
0x1d: {  	s5 =	simm.s32 @p1 $0x1;
	p0 =	seq.s32 s7, s2  }
0x1e: {  	s7 =	smul.u32 @!p0 $0xF7A, s2;
	p2 =	seq.s32 @!p0 s5, $0x0  }
0x1f: {  	s9 =	smul.u32 $0xF7A, s1;
	s8 =	simm.s32 @!p0 $0x1BF5;
	p2 =	por !p2, p0  }
0x20: {  	[sflag:s8] =	ssyncset.s32 @!p0 $0xFFFFF086;
	s6 =	sadd.s32 @!p0 s3, s7;
	s7 =	simm.s32 @!p0 $0x108  }
0x21: {  	s3 =	sadd.s32 s3, s9;
	s6 =	sadd.s32 @!p0 $0x88, s6;
	s7 =	simm.s32 @p2 $0x1082  }
0x22: {  	[simem:s7], [sflag:s8] =	dma.local @!p0 [hbm:s6], $0xF7A  }
0x23: {  	s9 =	sor.u32 $0xD0000000, s2;
	s6 =	simm.s32 $0x108;
	_ =	swait.ge @!p0 [sflag:s8], $0x0  }
0x24: {  	s3 =	sadd.s32 $0x88, s3;
	s6 =	simm.s32 @!p1 $0x1082;
	[sflag:s4] =	ssyncset.s32 $0xFFFFF086  }
0x25: {  	[simem:s6], [sflag:s4] =	dma.local [hbm:s3], $0xF7A  }
0x26: {  	[smem:$0x3F9E] =	sst s1;
	(tag) =	ssettag s2;
	_ =	strace s9  }
0x27: {  	s1 =	sld [smem:$0x3FAE]  }
0x28: {  	s2 =	sld [smem:$0x3FAF]  }
0x29: {  	s4 =	sld [smem:$0x3FB1]  }
0x2a: {  	p0 =	seq.s32 s5, $0x0;
	s5 =	sld [smem:$0x3FB2]  }
0x2b: {  	s6 =	sld [smem:$0x3FB3]  }
0x2c: {  	s7 =	sld [smem:$0x3FB4]  }
0x2d: {  	s3 =	simm.s32 $0x108;
	s8 =	sld [smem:$0x3FB5]  }
0x2e: {  	s3 =	simm.s32 @!p0 $0x1082;
	s9 =	sld [smem:$0x3FB6]  }
0x2f: {  	lr =	sadd.s32 s0, s3;
	s0 =	sld [smem:$0x3FAD]  }
0x30: {  	s3 =	sld [smem:$0x3FB0]  }
0x31: {  	[smem:$0x3FB9] =	sst s10  }
0x32: {  	s10 =	sld [smem:$0x3FB7];
	_ =	sdelay $0x3  }
0x33: {  	p0 =	seq.s32 s10, $0x1;
	s10 =	sld [smem:$0x3FB9];
	_ =	sdelay $0x3  }
0x34: {  	[smem:$0x3FB9] =	sst s10  }
0x35: {  	s10 =	sld [smem:$0x3FB8];
	_ =	sdelay $0x3  }
0x36: {  	p1 =	seq.s32 s10, $0x1;
	s10 =	sld [smem:$0x3FB9];
	_ =	sdelay $0x3  }
0x37: {  	[smem:$0x3FB9] =	sst s10  }
0x38: {  	s10 =	sld [smem:$0x3FBA]  }
0x39: {  	_ = 	snop;
	(pc) =	sbr.ind lr, $3  }
0x3a: {  	_ = 	snop  }
0x3b: {  	_ = 	snop  }
0x3c: {  	p2 =	seq.s32 s10, $0x1;
	s10 =	sld [smem:$0x3FB9]  }
0x3d: {  	_ =	shalt  }
0x3e: {  	_ =	shalt  }
0x3f: {  	_ =	shalt  }
0x40: {  	_ =	shalt  }
0x41: {  	_ =	shalt  }
0x42: {  	_ =	shalt  }
0x43: {  	_ =	shalt  }
0x44: {  	_ =	shalt  }
0x45: {  	_ =	shalt  }
0x46: {  	_ =	shalt  }
0x47: {  	_ =	shalt  }
0x48: {  	_ =	shalt  }
0x49: {  	_ =	shalt  }
0x4a: {  	_ =	shalt  }
0x4b: {  	_ =	shalt  }
0x4c: {  	_ =	shalt  }
0x4d: {  	_ =	shalt  }
0x4e: {  	_ =	shalt  }
0x4f: {  	_ =	shalt  }
0x50: {  	_ =	shalt  }
0x51: {  	_ =	shalt  }
0x52: {  	_ =	shalt  }
0x53: {  	_ =	shalt  }
0x54: {  	_ =	shalt  }
0x55: {  	_ =	shalt  }
0x56: {  	_ =	shalt  }
0x57: {  	_ =	shalt  }
0x58: {  	_ =	shalt  }
0x59: {  	_ =	shalt  }
0x5a: {  	_ =	shalt  }
0x5b: {  	_ =	shalt  }
0x5c: {  	_ =	shalt  }
0x5d: {  	_ =	shalt  }
0x5e: {  	_ =	shalt  }
0x5f: {  	_ =	shalt  }
0x60: {  	_ =	shalt  }
0x61: {  	_ =	shalt  }
0x62: {  	_ =	shalt  }
0x63: {  	_ =	shalt  }
0x64: {  	_ =	shalt  }
0x65: {  	_ =	shalt  }
0x66: {  	_ =	shalt  }
0x67: {  	_ =	shalt  }
0x68: {  	_ =	shalt  }
0x69: {  	_ =	shalt  }
0x6a: {  	_ =	shalt  }
0x6b: {  	_ =	shalt  }
0x6c: {  	_ =	shalt  }
0x6d: {  	_ =	shalt  }
0x6e: {  	_ =	shalt  }
0x6f: {  	_ =	shalt  }
0x70: {  	_ =	shalt  }
0x71: {  	_ =	shalt  }
0x72: {  	_ =	shalt  }
0x73: {  	_ =	shalt  }
0x74: {  	_ =	shalt  }
0x75: {  	_ =	shalt  }
0x76: {  	_ =	shalt  }
0x77: {  	_ =	shalt  }
0x78: {  	_ =	shalt  }
0x79: {  	_ =	shalt  }
0x7a: {  	_ =	shalt  }
0x7b: {  	_ =	shalt  }
0x7c: {  	_ =	shalt  }
0x7d: {  	_ =	shalt  }
0x7e: {  	_ =	shalt  }
0x7f: {  	_ =	shalt  }
0x80: {  	_ =	shalt  }
0x81: {  	_ =	shalt  }
0x82: {  	_ =	shalt  }
0x83: {  	_ =	shalt  }
0x84: {  	_ =	shalt  }
0x85: {  	_ =	shalt  }
0x86: {  	_ =	shalt  }
0x87: {  	_ =	shalt  }
.Lfunc_end0:
.L_simem_size_0:
called_computation_lowered:
.L_overlay_start_0:
0x88: {  	s2 =	sld [smem:$0x3FD9]  }
0x89: {  	s3 =	sld [smem:$0x3FFE];
	_ =	sdelay $0x1  }
0x8a: {  	s1 =	srdreg.scid  }
0x8b: {  	s0 =	sand.u32 $0x1, s1  }
0x8c: {  	s17 =	sshll.u32 s0, $0xA;
	s2 =	sadd.s32 s3, s2  }
0x8d: {  	s2 =	sadd.s32 s2, s17  }
0x8e: {  	[smem:$0x3FC5] =	sst s2  }
0x8f: {  	_ = 	snop  }
0x90: {  	s2 =	sld [smem:$0x3FC8];
	(tm) =	ssettm $0x1  }
0x91: {  	s18 =	sld [smem:$0x3FFB];
	_ =	sdelay $0x3  }
0x92: {  	_ =	strace s18  }
0x93: {  	s3 =	sld [smem:$0x3FFC];
	_ =	sdelay $0x3  }
0x94: {  	_ =	strace s3  }
0x95: {  	s3 =	sld [smem:$0x3FFD];
	_ =	sdelay $0x3  }
0x96: {  	_ =	strace s3  }
0x97: {  	_ =	strace $0x8FFFFFFF  }
0x98: {  	s19 =	sld [smem:$0x3FDB];
	_ =	sdelay $0x1  }
0x99: {  	s4 =	simm.s32 $_scs_section_size  }
0x9a: {  	s5 =	simm.s32 $_size__tile_overlayer_lowered;
	s6 =	simm.s32 $_tile_overlayer_lowered  }
0x9b: {  	s22 =	simm.s32 $0x1BFF;
	s21 =	sshll.u32 s6, $0x1;
	s3 =	sadd.s32 s4, s19  }
0x9c: {  	s7 =	simm.s32 $0x0;
	s20 =	sshll.u32 s5, $0x1;
	s5 =	sadd.s32 s21, s3  }
0x9d: {  	[timem:s7], [sflag:s22] =	dma.local [hbm:s5], s20  }
0x9e: {  	_ =	swait.ge [sflag:s22], s20  }
0x9f: {  	s4 =	ssub.s32 $0x0, s20;
	[sflag:s22] =	ssyncset.done $0x0  }
0xa0: {  	[sflag:s22] =	ssyncadd.s32 s4;
	_ =	sdelay $0x1  }
0xa1: {  	s23 =	simm.s32 $0x1B8B  }
0xa2: {  	_ =	swait.ge [sflag:s23], $0x1  }
0xa3: {  	[sflag:s23] =	ssyncset.done $0x0  }
0xa4: {  	s25 =	simm.s32 $0x1B8E;
	s24 =	sld [smem:$0x3FFE];
	[sflag:s23] =	ssyncadd.s32 $0xFFFFFFFF  }
0xa5: {  	s26 =	simm.s32 $execute0_lowered;
	[smem:$0x3FD2] =	sst s25  }
0xa6: {  	s5 =	sshll.u32 s26, $0x1;
	_ =	strace $0x80000046;
	[dreg:$0x1] =	wrdreg $0xFFFFFFFF  }
0xa7: {  	s28 =	simm.s32 $_size_execute0_lowered;
	s3 =	sadd.s32 s3, s5;
	[dreg:$0x0] =	wrdreg $0x0  }
0xa8: {  	s5 =	sshll.u32 s28, $0x1;
	[dreg:$0x2] =	wrdreg s3  }
0xa9: {  	[dreg:$0x3] =	wrdreg s5  }
0xaa: {  	[dreg:$0x4] =	wrdreg $0xC0  }
0xab: {  	_ =	task [dreg:s7], $0x5FFFF  }
0xac: {  	[dreg:$0x1] =	wrdreg $0xFFFFFFFF  }
0xad: {  	[dreg:$0x0] =	wrdreg $0x60  }
0xae: {  	[dreg:$0x2] =	wrdreg s24  }
0xaf: {  	[dreg:$0x3] =	wrdreg s2  }
0xb0: {  	[dreg:$0x4] =	wrdreg $0x9  }
0xb1: {  	_ =	task.clear_ibuf [dreg:s7], $0x5FFFF;
	_ =	strace $0x90000046  }
0xb2: {  	s29 =	simm.s32 $0x9;
	_ =	strace $0x80000048  }
0xb3: {  	_ =	swait.ge [sflag:s29], $0x1  }
0xb4: {  	[sflag:s29] =	ssyncadd.s32 $0xFFFFFFFF  }
0xb5: {  	_ =	strace $0x90000048  }
0xb6: {  	_ =	sfence  }
0xb7: {  	s30 =	sld [smem:$0x0];
	_ =	sdelay $0x2  }
0xb8: {  	s31 =	sshll.u32 s1, $0xD;
	s1 =	sshrl.u32 s1, $0x2  }
0xb9: {  	s3 =	sand.u32 $0x4000, s31;
	s1 =	sadd.s32 s1, s30  }
0xba: {  	s0 =	sor.u32 s3, s0;
	s1 =	sshll.u32 s1, $0x11  }
0xbb: {  	s0 =	sor.u32 s1, s0  }
0xbc: {  	s0 =	sadd.s32 $0x8F2B, s0  }
0xbd: {  	[sflag:s0] =	ssyncadd.remote.s32 $0x1  }
0xbe: {  	_ =	sfence.sel $0xFFFF  }
0xbf: {  	[dreg:$0x0] =	wrdreg $0xFFFFFFFF;
	(pc) =	sbr.abs _section_cstart, $3  }
0xc0: {  	[dreg:$0x1] =	wrdreg $0xFFFFFFFF  }
0xc1: {  	_ =	task.clear_ibuf [dreg:s7], $0x2FFFF;
	_ =	strace $0x9FFFFFFF  }
0xc2: {  	(tm) =	ssettm $0x7FFFFFFF  }
0xc3: {  	_ =	shalt  }
tec
execute0_lowered:
.L_overlay_start_1:
0x0: {  	(tag) =	ssettag $0x1  }
0x1: {  	s3 =	rddreg [dreg:$0x0];
	s1 =	srdreg.scid  }
0x2: {  	s0 =	stileid.u32;
	s5 =	rddreg [dreg:$0x1];
	s10 =	simm.s32 $0x1000  }
0x3: {  	s11 =	simm.s32 $0x80;
	s12 =	simm.s32 $0x400;
	s13 =	simm.s32 $0x1800  }
0x4: {  	s14 =	simm.s32 $0x0;
	s4 =	sand.u32 $0x1, s1;
	s2 =	sshll.u32 s0, $0x1  }
0x5: {  	s1 =	rddreg [dreg:$0x2];
	s6 =	sor.u32 s4, s2;
	s2 =	simm.s32 $0x0  }
0x6: {  	s4 =	ssub.s32 $0x2, s4;
	s7 =	sshll.u32 s6, $0x9;
	s8 =	sshll.u32 s6, $0x7  }
0x7: {  	[smem:$0x7FF] =	sst s2;
	s31 =	sshrl.u32 s4, $0x1;
	s6 =	sshll.u32 s6, $0x8  }
0x8: {  	s9 =	sand.u32 $0x3000, s7;
	s8 =	sand.u32 $0x380, s8;
	_ =	strace $0x80000047  }
0x9: {  	s7 =	sadd.s32 s7, s3;
	s5 =	sadd.s32 s5, s6;
	s8 =	sor.u32 s8, s9  }
0xa: {  	s9 =	ssub.s32 s4, s31;
	s4 =	sadd.s32 $0x900, s7;
	s8 =	sshrl.u32 s8, $0x3  }
0xb: {  	s8 =	sadd.s32 s8, s3;
	s3 =	sadd.s32 $0x800, s7;
	s7 =	smax.u32 s9, $0x1  }
0xc: {  	v0 =	vimm.f32 $0.0e+00;
	s9 =	simm.s32 $0x800;
	s6 =	sadd.s32 $0x4800, s8;
	s8 =	simm.s32 $0x1  }
.LBB2_1:
0xd: {  	[tilespmem:s2], [sflag:$0x1] =	stream.linear.gather [hbm4b:s3+s2], $0x800, $0x38;
	[tilespmem:$0x1A00] =	vst v63  }
0xe: {  	_ =	swait.ge [sflag:s8], $0x800  }
0xf: {  	[sflag:s8] =	ssyncset.done $0x0  }
0x10: {  	[sflag:s8] =	ssyncadd.s32 $0xFFFFF800  }
0x11: {  	[tilespmem:s9], [sflag:$0x1] =	stream.linear.gather [hbm4b:s4+s2], $0x800, $0x38;
	[tilespmem:$0x1A00] =	vst v63  }
0x12: {  	_ =	swait.ge [sflag:s8], $0x800  }
0x13: {  	[sflag:s8] =	ssyncset.done $0x0  }
0x14: {  	[sflag:s8] =	ssyncadd.s32 $0xFFFFF800  }
0x15: {  	[tilespmem:s10], [sflag:$0x1] =	stream.linear.gather [hbm4b:s5+s2], $0x800, $0x38;
	[tilespmem:$0x1A00] =	vst v63  }
0x16: {  	_ =	swait.ge [sflag:s8], $0x800  }
0x17: {  	[sflag:s8] =	ssyncset.done $0x0  }
0x18: {  	s15 =	simm.s32 $0x0;
	[sflag:s8] =	ssyncadd.s32 $0xFFFFF800  }
0x19: {  	v1 =	vld [tilespmem:s15+$0x1000]  }
0x1a: {  	v29 =	vimm.f32 $0.0e+00;
	v19 =	vimm.f32 $0.0e+00;
	v27 =	vimm.f32 $0.0e+00;
	v2 =	vld [tilespmem:s15+$0x0]  }
0x1b: {  	v24 =	vimm.f32 $0.0e+00;
	v32 =	vimm.f32 $0.0e+00;
	v16 =	vimm.f32 $0.0e+00  }
0x1c: {  	v26 =	vimm.f32 $0.0e+00;
	v25 =	vimm.f32 $0.0e+00;
	v31 =	vimm.f32 $0.0e+00  }
0x1d: {  	v30 =	vimm.f32 $0.0e+00;
	v22 =	vimm.f32 $0.0e+00;
	v17 =	vimm.f32 $0.0e+00  }
0x1e: {  	v20 =	vimm.f32 $0.0e+00;
	v28 =	vimm.f32 $0.0e+00;
	v1 =	vcvt.s32.f32 v1  }
0x1f: {  	vm1 =	vgt.f32 v2, $0.0e+00;
	vm3 =	vle.f32 v2, $1.000000010e-01;
	vm2 =	vle.f32 v2, $2.000000030e-01  }
0x20: {  	v3 =	vld [tilespmem:s15+$0x800];
	vm4 =	vle.f32 v2, $5.000000000e-01;
	vm5 =	vgt.f32 v2, $4.000000060e-01;
	vm15 =	vgt.f32 v2, $5.000000000e-01  }
0x21: {  	vm6 =	vle.f32 v2, $6.000000240e-01;
	vm7 =	vgt.f32 v2, $6.000000240e-01;
	vm8 =	vle.f32 v2, $6.999999880e-01  }
0x22: {  	vm9 =	vle.f32 v2, $1.000000000e+00;
	vm10 =	vgt.f32 v2, $1.000000010e-01;
	vm13 =	vgt.f32 v2, $6.999999880e-01  }
0x23: {  	vm14 =	vle.f32 v2, $8.000000110e-01;
	vm11 =	vgt.f32 v2, $8.999999760e-01;
	vm3 =	vmand vm1, vm3  }
0x24: {  	vm1 =	vle.f32 v2, $4.000000060e-01;
	vm12 =	vmand vm7, vm8;
	vm4 =	vmand vm5, vm4  }
0x25: {  	vm11 =	vmand vm11, vm9;
	vm2 =	vmand vm10, vm2;
	vm0 =	veq.f32 v3, v1  }
0x26: {  	v3 =	vsel vm3, $0x3F800000, v0;
	vm3 =	vmand vm15, vm6;
	v11 =	vsel vm12, $0x3F800000, v0  }
0x27: {  	vm15 =	vmand vm13, vm14;
	v35 =	vsel vm4, $0x3F800000, v0;
	vm12 =	vgt.f32 v2, $2.000000030e-01  }
0x28: {  	vm13 =	vgt.f32 v2, $3.000000120e-01;
	v42 =	vsel vm2, $0x3F800000, v0;
	vm14 =	vgt.f32 v2, $8.000000110e-01  }
0x29: {  	v40 =	vsel vm11, $0x3F800000, v0;
	v1 =	vsel vm0, $0x3F800000, v0;
	vm0 =	vle.f32 v2, $3.000000120e-01  }
0x2a: {  	v33 =	vmul.f32 v3, v2;
	v7 =	vsel vm15, $0x3F800000, v0;
	v10 =	vadd.f32 v3, v0  }
0x2b: {  	v4 =	vsel vm3, $0x3F800000, v0;
	vm1 =	vmand vm13, vm1;
	v13 =	vmul.f32 v35, v2  }
0x2c: {  	vm15 =	vle.f32 v2, $8.999999760e-01;
	v23 =	vadd.f32 v42, v0;
	v39 =	vmul.f32 v40, v2  }
0x2d: {  	v34 =	vmul.f32 v1, v3;
	v3 =	vadd.f32 v7, v0;
	v6 =	vmul.f32 v7, v2  }
0x2e: {  	v5 =	vadd.f32 v4, v0;
	v8 =	vmul.f32 v1, v4;
	v12 =	vmul.f32 v4, v2  }
0x2f: {  	v36 =	vmul.f32 v1, v7;
	v7 =	vadd.f32 v11, v0;
	vm0 =	vmand vm12, vm0  }
0x30: {  	v9 =	vmul.f32 v1, v11;
	v41 =	vsel vm1, $0x3F800000, v0;
	v44 =	vmul.f32 v1, v42  }
0x31: {  	v11 =	vmul.f32 v11, v2;
	v38 =	vsel vm0, $0x3F800000, v0;
	v14 =	vadd.f32 v41, v0  }
0x32: {  	vm0 =	vmand vm14, vm15;
	v18 =	vadd.f32 v13, v0;
	v45 =	vmul.f32 v41, v2  }
0x33: {  	v13 =	vimm.f32 $0.0e+00;
	v4 =	vadd.f32 v6, v0;
	v6 =	vadd.f32 v8, v0  }
0x34: {  	v8 =	vadd.f32 v35, v0;
	v15 =	vmul.f32 v1, v38;
	v37 =	vsel vm0, $0x3F800000, v0  }
0x35: {  	v9 =	vadd.f32 v9, v0;
	v12 =	vadd.f32 v12, v0;
	v43 =	vmul.f32 v1, v37  }
0x36: {  	s15 =	simm.s32 $0x40;
	v21 =	vadd.f32 v15, v0;
	v15 =	vadd.f32 v11, v0;
	v11 =	vimm.f32 $0.0e+00  }
.LBB2_2:
0x37: {  	s16 =	sshra.s32 s15, $0x2;
	p0 =	sne.s32 s15, $0x1FC0;
	s15 =	sadd.s32 $0x40, s15;
	v29 =	vadd.f32 v34, v29;
	v34 =	vmul.f32 v1, v35;
	v13 =	vadd.f32 v43, v13  }
0x38: {  	v19 =	vadd.f32 v36, v19;
	v36 =	vmul.f32 v37, v2;
	v11 =	vadd.f32 v40, v11;
	v35 =	vld [tilespmem:s16+$0x1000]  }
0x39: {  	v27 =	vadd.f32 v44, v27;
	v44 =	vmul.f32 v38, v2;
	v24 =	vadd.f32 v45, v24;
	v43 =	vld [tilespmem:s16+$0x0]  }
0x3a: {  	v32 =	vadd.f32 v33, v32;
	v2 =	vmul.f32 v42, v2;
	v16 =	vadd.f32 v36, v16;
	v45 =	vld [tilespmem:s16+$0x800]  }
0x3b: {  	v33 =	vmul.f32 v1, v41;
	v26 =	vadd.f32 v44, v26;
	v25 =	vadd.f32 v34, v25  }
0x3c: {  	v30 =	vadd.f32 v38, v30;
	v1 =	vmul.f32 v1, v40;
	v31 =	vadd.f32 v2, v31  }
0x3d: {  	v22 =	vadd.f32 v37, v22;
	v17 =	vadd.f32 v39, v17;
	v34 =	vcvt.s32.f32 v35  }
0x3e: {  	v20 =	vadd.f32 v1, v20;
	vm2 =	vgt.f32 v43, $0.0e+00;
	vm3 =	vle.f32 v43, $1.000000010e-01;
	v2 =	vmovc v43  }
0x3f: {  	v28 =	vadd.f32 v33, v28;
	vm0 =	veq.f32 v45, v34;
	vm1 =	vle.f32 v2, $2.000000030e-01  }
0x40: {  	vm4 =	vle.f32 v2, $5.000000000e-01;
	v1 =	vsel vm0, $0x3F800000, v0;
	vm0 =	vle.f32 v2, $3.000000120e-01  }
0x41: {  	vm3 =	vmand vm2, vm3;
	vm2 =	vle.f32 v2, $4.000000060e-01;
	vm5 =	vgt.f32 v2, $4.000000060e-01  }
0x42: {  	vm6 =	vle.f32 v2, $6.000000240e-01;
	v35 =	vsel vm3, $0x3F800000, v0;
	vm3 =	vgt.f32 v2, $5.000000000e-01  }
0x43: {  	vm7 =	vgt.f32 v2, $6.000000240e-01;
	vm8 =	vle.f32 v2, $6.999999880e-01;
	vm9 =	vle.f32 v2, $1.000000000e+00  }
0x44: {  	vm10 =	vgt.f32 v2, $1.000000010e-01;
	vm3 =	vmand vm3, vm6;
	vm6 =	vmand vm7, vm8  }
0x45: {  	vm11 =	vgt.f32 v2, $8.999999760e-01;
	vm7 =	vgt.f32 v2, $6.999999880e-01;
	vm8 =	vle.f32 v2, $8.000000110e-01  }
0x46: {  	v34 =	vmul.f32 v1, v35;
	v37 =	vsel vm6, $0x3F800000, v0;
	vm6 =	vmand vm7, vm8  }
0x47: {  	vm4 =	vmand vm5, vm4;
	v33 =	vmul.f32 v35, v2;
	v36 =	vsel vm6, $0x3F800000, v0  }
0x48: {  	v10 =	vadd.f32 v35, v10;
	v38 =	vsel vm3, $0x3F800000, v0;
	v3 =	vadd.f32 v36, v3  }
0x49: {  	v35 =	vsel vm4, $0x3F800000, v0;
	vm3 =	vmand vm11, vm9;
	v39 =	vmul.f32 v36, v2  }
0x4a: {  	vm4 =	vgt.f32 v2, $2.000000030e-01;
	v5 =	vadd.f32 v38, v5;
	v40 =	vmul.f32 v1, v38  }
0x4b: {  	vm1 =	vmand vm10, vm1;
	v43 =	vmul.f32 v38, v2;
	v4 =	vadd.f32 v39, v4  }
0x4c: {  	vm5 =	vgt.f32 v2, $3.000000120e-01;
	v36 =	vmul.f32 v1, v36;
	v6 =	vadd.f32 v40, v6  }
0x4d: {  	vm2 =	vmand vm5, vm2;
	v7 =	vadd.f32 v37, v7;
	v39 =	vmul.f32 v35, v2  }
0x4e: {  	vm0 =	vmand vm4, vm0;
	v8 =	vadd.f32 v35, v8;
	v40 =	vmul.f32 v1, v37  }
0x4f: {  	v42 =	vsel vm1, $0x3F800000, v0;
	v41 =	vsel vm2, $0x3F800000, v0;
	v38 =	vsel vm0, $0x3F800000, v0  }
0x50: {  	v14 =	vadd.f32 v41, v14;
	v45 =	vmul.f32 v1, v38;
	v9 =	vadd.f32 v40, v9  }
.Ltmp0:
0x51: {  	vm1 =	vle.f32 v2, $8.999999760e-01;
	v44 =	vmul.f32 v1, v42;
	vm0 =	vgt.f32 v2, $8.000000110e-01;
	(pc) =	sbr.rel @p0 .LBB2_2-.Ltmp0, $4  }
0x52: {  	v23 =	vadd.f32 v42, v23;
	vm0 =	vmand vm0, vm1;
	v21 =	vadd.f32 v45, v21  }
0x53: {  	v46 =	vmul.f32 v37, v2;
	v12 =	vadd.f32 v43, v12;
	v37 =	vsel vm0, $0x3F800000, v0  }
0x54: {  	v43 =	vmul.f32 v1, v37;
	v40 =	vsel vm3, $0x3F800000, v0;
	v18 =	vadd.f32 v39, v18  }
0x55: {  	v15 =	vadd.f32 v46, v15;
	v45 =	vmul.f32 v41, v2;
	v39 =	vmul.f32 v40, v2  }
0x56: {  	[tilespmem:$0x1800] =	vst v10  }
0x57: {  	[tilespmem:$0x1830] =	vst v23  }
0x58: {  	[tilespmem:$0x1870] =	vst v21  }
0x59: {  	[tilespmem:$0x1890] =	vst v14  }
0x5a: {  	[tilespmem:$0x18C0] =	vst v8  }
0x5b: {  	[tilespmem:$0x18E0] =	vst v18  }
0x5c: {  	[tilespmem:$0x18F0] =	vst v5  }
0x5d: {  	[tilespmem:$0x1900] =	vst v6  }
0x5e: {  	[tilespmem:$0x1910] =	vst v12  }
0x5f: {  	[tilespmem:$0x1920] =	vst v7  }
0x60: {  	[tilespmem:$0x1930] =	vst v9  }
0x61: {  	[tilespmem:$0x1950] =	vst v3  }
0x62: {  	v29 =	vadd.f32 v34, v29;
	[tilespmem:$0x1970] =	vst v4  }
0x63: {  	v32 =	vadd.f32 v33, v32;
	[tilespmem:$0x1940] =	vst v15  }
0x64: {  	v27 =	vadd.f32 v44, v27;
	[tilespmem:$0x1810] =	vst v29  }
0x65: {  	v56 =	vadd.f32 v38, v30;
	[tilespmem:$0x1820] =	vst v32  }
0x66: {  	v62 =	vadd.f32 v36, v19;
	[tilespmem:$0x1840] =	vst v27  }
0x67: {  	v3 =	vadd.f32 v37, v22;
	[tilespmem:$0x1860] =	vst v56  }
0x68: {  	v54 =	vmul.f32 v42, v2;
	v63 =	vadd.f32 v43, v13;
	[tilespmem:$0x1960] =	vst v62  }
0x69: {  	v55 =	vmul.f32 v38, v2;
	v61 =	vadd.f32 v45, v24;
	[tilespmem:$0x1980] =	vst v3  }
0x6a: {  	v58 =	vmul.f32 v1, v41;
	v10 =	vadd.f32 v54, v31;
	[tilespmem:$0x1990] =	vst v63  }
0x6b: {  	v2 =	vmul.f32 v37, v2;
	v57 =	vadd.f32 v55, v26;
	[tilespmem:$0x18B0] =	vst v61  }
0x6c: {  	v59 =	vadd.f32 v58, v28;
	[tilespmem:$0x1850] =	vst v10  }
0x6d: {  	v60 =	vmul.f32 v1, v35;
	v1 =	vmul.f32 v1, v40;
	v2 =	vadd.f32 v2, v16;
	[tilespmem:$0x1880] =	vst v57  }
0x6e: {  	v3 =	vadd.f32 v40, v11;
	[tilespmem:$0x18A0] =	vst v59  }
0x6f: {  	v1 =	vadd.f32 v1, v20;
	[tilespmem:$0x19A0] =	vst v2  }
0x70: {  	v10 =	vadd.f32 v60, v25;
	[tilespmem:$0x19B0] =	vst v3  }
0x71: {  	s14 =	sadd.s32 $0x1, s14;
	v2 =	vadd.f32 v39, v17;
	[tilespmem:$0x19C0] =	vst v1  }
0x72: {  	p0 =	sne.s32 s14, s7;
	[tilespmem:$0x18D0] =	vst v10  }
.Ltmp1:
0x73: {  	[tilespmem:$0x19D0] =	vst v2;
	(pc) =	sbr.rel @p0 .LBB2_1-.Ltmp1, $4  }
0x74: {  	[hbm4b:s6+s11] =	stream.strided.scatter [tilespmem:s13], [sflag:$0x1], $0x200, s12, s11, $0x38;
	[tilespmem:$0x1A00] =	vst v63  }
0x75: {  	_ =	swait.ge [sflag:s8], $0x200  }
0x76: {  	[sflag:s8] =	ssyncset.done $0x0  }
0x77: {  	[sflag:s8] =	ssyncadd.s32 $0xFFFFFE00  }
0x78: {  	_ =	sfence.sel $0x180000  }
0x79: {  	[bflag:$0x0] =	sbarrier.arrive $0xFFFF  }
0x7a: {  	p0 =	sne.s32 s0, $0x0;
	_ =	strace $0x90000047  }
0x7b: {  	s0 =	sadd.s32 @!p0 $0x100000, s1;
	[bflag:$0x2] =	sbarrier.arrive $0xFFFF  }
0x7c: {  	[sflag:s0] =	ssyncadd.tile.s32 @!p0 $0x1;
	_ =	shalt  }
.Lfunc_end2:
_tile_overlayer_lowered:
.L_overlay_start_2:
0x7d: {  	(tag) =	ssettag $0x2  }
0x7e: {  	s0 =	rddreg [dreg:$0x0];
	s2 =	stileid.u32  }
0x7f: {  	s1 =	rddreg [dreg:$0x1];
	p0 =	sne.s32 s2, $0x0  }
0x80: {  	s3 =	rddreg [dreg:$0x2];
	[bflag:$0x3] =	sbarrier.arrive $0xFFFF;
	s2 =	simm.s32 @!p0 $0x1C01  }
0x81: {  	[timem:s3], [sflag:s2] =	dma.local @!p0 [hbm:s0], s1  }
0x82: {  	s0 =	simm.s32 @!p0 $0x1  }
0x83: {  	_ =	swait.ge @!p0 [sflag:s0], s1  }
0x84: {  	s1 =	ssub.s32 @!p0 $0x0, s1;
	[sflag:s0] =	ssyncset.done @!p0 $0x0  }
0x85: {  	[sflag:s0] =	ssyncadd.s32 @!p0 s1  }
0x86: {  	[bflag:$0x3] =	sbarrier.arrive $0xFFFF  }
0x87: {  	_ =	shalt  }

</sc_bundles>
